<compile_context>
chip_gen: v7x
topology: tpu7x:2x2x1
jax: 0.10.2.dev20260603
libtpu: 0.0.44.dev20260713+nightly
codegen_flags: <defaults>
</compile_context>

<pallas_src>
import functools

import jax
import jax.numpy as jnp
from jax import lax
from jax.experimental import pallas as pl
from jax.experimental.pallas import tpu as pltpu
from jax.experimental.pallas import tpu_sc as plsc

B = 16384
D = 64
H = D // 2
C = 100000
NS = 16
CW = 16
MOM = 0.9

_f32 = jnp.float32
_i32 = jnp.int32


SPT_A = B // NS
RCH_A = SPT_A // 128


def _sc_a_body(l_hbm, samp_hbm, zc_hbm, ones_hbm,
               reptab_out, rep_out, cnt_out,
               cnt_sh,
               l_v, samp_v, rep_v, zc_v, ones_v, sem):
    t = lax.axis_index("s")
    base = t * SPT_A

    pltpu.sync_copy(l_hbm.at[pl.ds(t * RCH_A, RCH_A)], l_v)
    pltpu.sync_copy(samp_hbm.at[pl.ds(t * RCH_A, RCH_A)], samp_v)
    pltpu.sync_copy(ones_hbm, ones_v)
    pltpu.sync_copy(zc_hbm, zc_v)

    for h in range(2):
        pltpu.sync_copy(zc_v, cnt_sh.at[pl.ds(base + h * 512, 512)])
    for j in range(RCH_A):
        pltpu.sync_copy(samp_v.at[j], reptab_out.at[l_v.at[j]])

    plsc.subcore_barrier()

    for j in range(RCH_A):
        pltpu.sync_copy(reptab_out.at[l_v.at[j]], rep_v.at[j])
        pltpu.sync_copy(ones_v, cnt_sh.at[rep_v.at[j]], add=True)
    pltpu.sync_copy(rep_v, rep_out.at[pl.ds(t * RCH_A, RCH_A)])

    plsc.subcore_barrier()

    for h in range(2):
        sl = pl.ds(base + h * 512, 512)
        pltpu.sync_copy(cnt_sh.at[sl], zc_v)
        pltpu.sync_copy(zc_v, cnt_out.at[sl])


_mesh_a = plsc.VectorSubcoreMesh(
    core_axis_name="c", subcore_axis_name="s", num_cores=1)

_sc_a = functools.partial(
    pl.kernel,
    out_type=[
        jax.ShapeDtypeStruct((C,), _i32),
        jax.ShapeDtypeStruct((B // 128, 128), _i32),
        jax.ShapeDtypeStruct((B, CW), _f32),
    ],
    mesh=_mesh_a,
    scratch_types=[
        pltpu.VMEM_SHARED((B, CW), _f32),
        pltpu.VMEM((RCH_A, 128), _i32),
        pltpu.VMEM((RCH_A, 128), _i32),
        pltpu.VMEM((RCH_A, 128), _i32),
        pltpu.VMEM((512, CW), _f32),
        pltpu.VMEM((128, CW), _f32),
        pltpu.SemaphoreType.DMA,
    ],
)(_sc_a_body)


SPT_B = B // (2 * NS)
RCH_B = SPT_B // 128


def _sc_b_body(xh0_hbm, xh1_hbm, l_hbm, rep_hbm, cc_hbm, zrow_hbm,
               acc0_out, acc1_out, ccg_out,
               acc_sh,
               l_v, rep_v, x_v, cc_v, sem, sem2):
    cid = lax.axis_index("c")
    sid = lax.axis_index("s")
    w = cid * NS + sid
    base = w * SPT_B
    sbase = sid * SPT_A

    pltpu.sync_copy(l_hbm.at[pl.ds(w * RCH_B, RCH_B)], l_v)
    pltpu.sync_copy(rep_hbm.at[pl.ds(w * RCH_B, RCH_B)], rep_v)

    pltpu.sync_copy(zrow_hbm, x_v)
    for h in range(2):
        pltpu.sync_copy(x_v, acc_sh.at[pl.ds(sbase + h * 512, 512)])

    plsc.subcore_barrier()

    @pl.when(cid == 0)
    def _():
        pltpu.sync_copy(xh0_hbm.at[pl.ds(base, SPT_B)], x_v)

    @pl.when(cid == 1)
    def _():
        pltpu.sync_copy(xh1_hbm.at[pl.ds(base, SPT_B)], x_v)

    for j in range(RCH_B):
        pltpu.sync_copy(x_v.at[pl.ds(j * 128, 128)],
                        acc_sh.at[rep_v.at[j]], add=True)

    for k in range(RCH_B):
        pltpu.sync_copy(cc_hbm.at[l_v.at[k]], cc_v)
        pltpu.sync_copy(cc_v, ccg_out.at[pl.ds(base + k * 128, 128)])

    plsc.subcore_barrier()

    @pl.when(cid == 0)
    def _():
        for h in range(2):
            sl = pl.ds(sbase + h * 512, 512)
            pltpu.sync_copy(acc_sh.at[sl], x_v)
            pltpu.sync_copy(x_v, acc0_out.at[sl])

    @pl.when(cid == 1)
    def _():
        for h in range(2):
            sl = pl.ds(sbase + h * 512, 512)
            pltpu.sync_copy(acc_sh.at[sl], x_v)
            pltpu.sync_copy(x_v, acc1_out.at[sl])


_mesh_b = plsc.VectorSubcoreMesh(
    core_axis_name="c", subcore_axis_name="s", num_cores=2)

_sc_b = functools.partial(
    pl.kernel,
    out_type=[
        jax.ShapeDtypeStruct((B, H), _f32),
        jax.ShapeDtypeStruct((B, H), _f32),
        jax.ShapeDtypeStruct((B, 2 * D), _f32),
    ],
    mesh=_mesh_b,
    scratch_types=[
        pltpu.VMEM_SHARED((B, H), _f32),
        pltpu.VMEM((RCH_B, 128), _i32),
        pltpu.VMEM((RCH_B, 128), _i32),
        pltpu.VMEM((SPT_B, H), _f32),
        pltpu.VMEM((128, 2 * D), _f32),
        pltpu.SemaphoreType.DMA,
        pltpu.SemaphoreType.DMA,
    ],
)(_sc_b_body)


_TC_STEPS = 16
_TC_ROWS = B // _TC_STEPS


def _tc_body(acc0_ref, acc1_ref, cnt_ref, cc_ref, out_ref):
    i = pl.program_id(0)
    n = cnt_ref[:, :1]
    m = n > 0.0
    safe_n = jnp.where(m, n, 1.0)
    q = (1.0 - MOM) / safe_n
    v0 = MOM * cc_ref[:, :H] + q * acc0_ref[...]
    v1 = MOM * cc_ref[:, H:D] + q * acc1_ref[...]
    cs0 = cc_ref[:, D:D + H]
    cs1 = cc_ref[:, D + H:]
    vv = jnp.sum(v0 * v0 + v1 * v1, axis=1, keepdims=True)
    vs = jnp.sum(v0 * cs0 + v1 * cs1, axis=1, keepdims=True)
    ss = jnp.sum(cs0 * cs0 + cs1 * cs1, axis=1, keepdims=True)
    d = 1.0 - 2.0 * vs * lax.rsqrt(vv) + ss
    sd = jnp.sum(jnp.where(m, d, 0.0))
    nr = jnp.sum(m.astype(_f32))

    row0 = lax.broadcasted_iota(_i32, (8, 128), 0) == 0
    col = lax.broadcasted_iota(_i32, (8, 128), 1)
    add = (jnp.where(row0 & (col == 0), sd, 0.0)
           + jnp.where(row0 & (col == 1), nr, 0.0))

    @pl.when(i == 0)
    def _():
        out_ref[...] = jnp.zeros((8, 128), _f32)

    out_ref[...] += add

    @pl.when(i == _TC_STEPS - 1)
    def _():
        tot = out_ref[...]
        sd_t = jnp.sum(jnp.where(row0 & (col == 0), tot, 0.0))
        nr_t = jnp.sum(jnp.where(row0 & (col == 1), tot, 0.0))
        out_ref[...] = jnp.broadcast_to(sd_t / nr_t, (8, 128))


_tc_call = pl.pallas_call(
    _tc_body,
    grid=(_TC_STEPS,),
    in_specs=[
        pl.BlockSpec((_TC_ROWS, H), lambda i: (i, 0)),
        pl.BlockSpec((_TC_ROWS, H), lambda i: (i, 0)),
        pl.BlockSpec((_TC_ROWS, CW), lambda i: (i, 0)),
        pl.BlockSpec((_TC_ROWS, 2 * D), lambda i: (i, 0)),
    ],
    out_specs=pl.BlockSpec((8, 128), lambda i: (0, 0)),
    out_shape=jax.ShapeDtypeStruct((8, 128), _f32),
)


def kernel(x, l, center_img, center_skt):
    l2 = l.reshape(B // 128, 128)
    samp2 = jnp.arange(B, dtype=_i32).reshape(B // 128, 128)
    zrow = jnp.zeros((SPT_B, H), _f32)
    zc = jnp.zeros((512, CW), _f32)
    ones = jnp.ones((128, CW), _f32)
    cc = jnp.concatenate([center_img, center_skt], axis=1)
    xh0 = x[:, :H]
    xh1 = x[:, H:]
    _, rep2, cnt = _sc_a(l2, samp2, zc, ones)
    acc0, acc1, ccg = _sc_b(xh0, xh1, l2, rep2, cc, zrow)
    out = _tc_call(acc0, acc1, cnt, ccg)
    return out[0, 0]

# --- scband reference (transcript-rebuilt; emitter-appended) ---
"""Pipeline reference for scband-center-alignment-83502754169266 (READ-ONLY COPY).

The authoritative reference and input builder live on the scoring server;
editing this copy changes nothing except your own understanding.
"""

import jax, jax.numpy as jnp
import numpy as np

NUM_CLASSES = 100000
FEA_DIM = 64
MOMENTUM = 0.9
BATCH = 16384


def setup_inputs(seed: int = 0) -> dict:
    key = jax.random.key(seed)
    k1, k2 = jax.random.split(key)
    x = jax.random.normal(k1, (BATCH, FEA_DIM), dtype=jnp.float32)
    l = jax.random.randint(k2, (BATCH,), 0, NUM_CLASSES, dtype=jnp.int32)
    center_skt = jnp.zeros((NUM_CLASSES, FEA_DIM), dtype=jnp.float32)
    center_img = jnp.zeros((NUM_CLASSES, FEA_DIM), dtype=jnp.float32)
    return {"x": x, "l": l, "center_img": center_img, "center_skt": center_skt}


def reference(x, l, center_img, center_skt):
    # update_center (modality='img'):
    max_classes = l.shape[0]
    classes_in_batch, sam2cls_idx, cl_sam_counts = jnp.unique(
        l, return_inverse=True, return_counts=True, size=max_classes)
    sam2cls_idx = sam2cls_idx.reshape(-1)
    valid = cl_sam_counts > 0
    num_unique = jnp.sum(valid.astype(x.dtype))
    # per-class sum of features (scatter-add), then mean
    center_tmp = jnp.zeros((classes_in_batch.shape[0], FEA_DIM), dtype=x.dtype)
    center_tmp = center_tmp.at[sam2cls_idx].add(x)
    safe_counts = jnp.where(valid, cl_sam_counts, 1)
    center_tmp = center_tmp / safe_counts.astype(x.dtype)[:, None]
    # EMA update of the img centers for classes present in the batch
    img_rows = center_img[classes_in_batch] * MOMENTUM + center_tmp * (1.0 - MOMENTUM)
    norm = jnp.sqrt(jnp.sum(img_rows * img_rows, axis=1, keepdims=True))
    img_rows = img_rows / norm
    # align_loss(center_img[classes], center_skt[classes]) with alpha=2:
    skt_rows = center_skt[classes_in_batch]
    diff = img_rows - skt_rows
    per_class = jnp.sum(diff * diff, axis=1)
    per_class = jnp.where(valid, per_class, jnp.zeros_like(per_class))
    loss = jnp.sum(per_class) / num_unique
    return loss

if __name__ == "__main__":
    import jax
    _d = setup_inputs()
    print(jax.jit(kernel)(*tuple(_d.values())))

</pallas_src>

<mosaic_0001>
#map = affine_map<(d0, d1) -> (0, 0)>
module attributes {stable_mosaic.version = 14 : i64} {
  func.func @_sc_b_body(%arg0: i32, %arg1: i32, %arg2: memref<16384x32xf32, #tpu.memory_space<hbm>>, %arg3: memref<16384x32xf32, #tpu.memory_space<hbm>>, %arg4: memref<128x128xi32, #tpu.memory_space<hbm>>, %arg5: memref<128x128xi32, #tpu.memory_space<hbm>>, %arg6: memref<100000x128xf32, #tpu.memory_space<hbm>>, %arg7: memref<512x32xf32, #tpu.memory_space<hbm>>, %arg8: memref<16384x32xf32, #tpu.memory_space<hbm>>, %arg9: memref<16384x32xf32, #tpu.memory_space<hbm>>, %arg10: memref<16384x128xf32, #tpu.memory_space<hbm>>, %arg11: memref<16384x32xf32, #tpu.memory_space<vmem_shared>>, %arg12: memref<4x128xi32, #tpu.memory_space<vmem>>, %arg13: memref<4x128xi32, #tpu.memory_space<vmem>>, %arg14: memref<512x32xf32, #tpu.memory_space<vmem>>, %arg15: memref<128x128xf32, #tpu.memory_space<vmem>>, %arg16: memref<!tpu.dma_semaphore, #tpu.memory_space<semaphore_mem>>, %arg17: memref<!tpu.dma_semaphore, #tpu.memory_space<semaphore_mem>>) attributes {dimension_semantics = [#tpu.dimension_semantics<core_parallel>, #tpu.dimension_semantics<subcore_parallel>], iteration_bounds = array<i64: 2, 16>, scalar_prefetch = 0 : i64, scratch_operands = 7 : i64, tpu.core_type = #tpu.core_type<sc_vector_subcore>, window_params = [{transform_indices = #map}, {transform_indices = #map}, {transform_indices = #map}, {transform_indices = #map}, {transform_indices = #map}, {transform_indices = #map}, {transform_indices = #map}, {transform_indices = #map}, {transform_indices = #map}]} {
    %mul3A = arith.constant 16 : i32
    %mul3A_0 = arith.muli %arg0, %mul3A : i32
    %add3A = arith.addi %mul3A_0, %arg1 : i32
    %mul3A_1 = arith.constant 512 : i32
    %mul3A_2 = arith.muli %add3A, %mul3A_1 : i32
    %mul3A_3 = arith.constant 1024 : i32
    %mul3A_4 = arith.muli %arg1, %mul3A_3 : i32
    %mul3A_5 = arith.constant 4 : i32
    %mul3A_6 = arith.muli %add3A, %mul3A_5 : i32
    "tpu.region"() ({
      %run_scoped3A_46 = tpu.sem_alloc : memref<!tpu.dma_semaphore, #tpu.memory_space<semaphore_mem>>
      %dma_start3A = arith.constant 0 : i32
      %dma_start3A_47 = tpu.memref_slice %arg4[%mul3A_6, %dma_start3A] : memref<128x128xi32, #tpu.memory_space<hbm>> -> memref<4x128xi32, #tpu.memory_space<hbm>>
      %dma_start3A_48 = arith.constant 0 : i32
      %dma_start3A_49 = tpu.memref_slice %arg4[%mul3A_6, %dma_start3A_48] : memref<128x128xi32, #tpu.memory_space<hbm>> -> memref<4x128xi32, #tpu.memory_space<hbm>>
      tpu.enqueue_dma source(%dma_start3A_49 : memref<4x128xi32, #tpu.memory_space<hbm>>) target(%arg12 : memref<4x128xi32, #tpu.memory_space<vmem>>) target_semaphore(%run_scoped3A_46 : memref<!tpu.dma_semaphore, #tpu.memory_space<semaphore_mem>>)
      %dma_wait3A = arith.constant 0 : i32
      %dma_wait3A_50 = tpu.memref_slice %arg4[%mul3A_6, %dma_wait3A] : memref<128x128xi32, #tpu.memory_space<hbm>> -> memref<4x128xi32, #tpu.memory_space<hbm>>
      %dma_wait3A_51 = arith.constant 0 : i32
      %dma_wait3A_52 = tpu.memref_slice %arg4[%mul3A_6, %dma_wait3A_51] : memref<128x128xi32, #tpu.memory_space<hbm>> -> memref<4x128xi32, #tpu.memory_space<hbm>>
      tpu.wait_dma2 semaphore(%run_scoped3A_46 : memref<!tpu.dma_semaphore, #tpu.memory_space<semaphore_mem>>) src(%dma_wait3A_52 : memref<4x128xi32, #tpu.memory_space<hbm>>) dst(%arg12 : memref<4x128xi32, #tpu.memory_space<vmem>>)
      tpu.yield
    }) : () -> ()
    %mul3A_7 = arith.constant 4 : i32
    %mul3A_8 = arith.muli %add3A, %mul3A_7 : i32
    "tpu.region"() ({
      %run_scoped3A_46 = tpu.sem_alloc : memref<!tpu.dma_semaphore, #tpu.memory_space<semaphore_mem>>
      %dma_start3A = arith.constant 0 : i32
      %dma_start3A_47 = tpu.memref_slice %arg5[%mul3A_8, %dma_start3A] : memref<128x128xi32, #tpu.memory_space<hbm>> -> memref<4x128xi32, #tpu.memory_space<hbm>>
      %dma_start3A_48 = arith.constant 0 : i32
      %dma_start3A_49 = tpu.memref_slice %arg5[%mul3A_8, %dma_start3A_48] : memref<128x128xi32, #tpu.memory_space<hbm>> -> memref<4x128xi32, #tpu.memory_space<hbm>>
      tpu.enqueue_dma source(%dma_start3A_49 : memref<4x128xi32, #tpu.memory_space<hbm>>) target(%arg13 : memref<4x128xi32, #tpu.memory_space<vmem>>) target_semaphore(%run_scoped3A_46 : memref<!tpu.dma_semaphore, #tpu.memory_space<semaphore_mem>>)
      %dma_wait3A = arith.constant 0 : i32
      %dma_wait3A_50 = tpu.memref_slice %arg5[%mul3A_8, %dma_wait3A] : memref<128x128xi32, #tpu.memory_space<hbm>> -> memref<4x128xi32, #tpu.memory_space<hbm>>
      %dma_wait3A_51 = arith.constant 0 : i32
      %dma_wait3A_52 = tpu.memref_slice %arg5[%mul3A_8, %dma_wait3A_51] : memref<128x128xi32, #tpu.memory_space<hbm>> -> memref<4x128xi32, #tpu.memory_space<hbm>>
      tpu.wait_dma2 semaphore(%run_scoped3A_46 : memref<!tpu.dma_semaphore, #tpu.memory_space<semaphore_mem>>) src(%dma_wait3A_52 : memref<4x128xi32, #tpu.memory_space<hbm>>) dst(%arg13 : memref<4x128xi32, #tpu.memory_space<vmem>>)
      tpu.yield
    }) : () -> ()
    "tpu.region"() ({
      %run_scoped3A_46 = tpu.sem_alloc : memref<!tpu.dma_semaphore, #tpu.memory_space<semaphore_mem>>
      tpu.enqueue_dma source(%arg7 : memref<512x32xf32, #tpu.memory_space<hbm>>) target(%arg14 : memref<512x32xf32, #tpu.memory_space<vmem>>) target_semaphore(%run_scoped3A_46 : memref<!tpu.dma_semaphore, #tpu.memory_space<semaphore_mem>>)
      tpu.wait_dma2 semaphore(%run_scoped3A_46 : memref<!tpu.dma_semaphore, #tpu.memory_space<semaphore_mem>>) src(%arg7 : memref<512x32xf32, #tpu.memory_space<hbm>>) dst(%arg14 : memref<512x32xf32, #tpu.memory_space<vmem>>)
      tpu.yield
    }) : () -> ()
    %add3A_9 = arith.constant 0 : i32
    %add3A_10 = arith.addi %mul3A_4, %add3A_9 : i32
    "tpu.region"() ({
      %run_scoped3A_46 = tpu.sem_alloc : memref<!tpu.dma_semaphore, #tpu.memory_space<semaphore_mem>>
      %dma_start3A = arith.constant 0 : i32
      %dma_start3A_47 = tpu.memref_slice %arg11[%add3A_10, %dma_start3A] : memref<16384x32xf32, #tpu.memory_space<vmem_shared>> -> memref<512x32xf32, #tpu.memory_space<vmem_shared>>
      %dma_start3A_48 = arith.constant 0 : i32
      %dma_start3A_49 = tpu.memref_slice %arg11[%add3A_10, %dma_start3A_48] : memref<16384x32xf32, #tpu.memory_space<vmem_shared>> -> memref<512x32xf32, #tpu.memory_space<vmem_shared>>
      tpu.enqueue_dma source(%arg14 : memref<512x32xf32, #tpu.memory_space<vmem>>) target(%dma_start3A_49 : memref<512x32xf32, #tpu.memory_space<vmem_shared>>) target_semaphore(%run_scoped3A_46 : memref<!tpu.dma_semaphore, #tpu.memory_space<semaphore_mem>>)
      %dma_wait3A = arith.constant 0 : i32
      %dma_wait3A_50 = tpu.memref_slice %arg11[%add3A_10, %dma_wait3A] : memref<16384x32xf32, #tpu.memory_space<vmem_shared>> -> memref<512x32xf32, #tpu.memory_space<vmem_shared>>
      %dma_wait3A_51 = arith.constant 0 : i32
      %dma_wait3A_52 = tpu.memref_slice %arg11[%add3A_10, %dma_wait3A_51] : memref<16384x32xf32, #tpu.memory_space<vmem_shared>> -> memref<512x32xf32, #tpu.memory_space<vmem_shared>>
      tpu.wait_dma2 semaphore(%run_scoped3A_46 : memref<!tpu.dma_semaphore, #tpu.memory_space<semaphore_mem>>) src(%arg14 : memref<512x32xf32, #tpu.memory_space<vmem>>) dst(%dma_wait3A_52 : memref<512x32xf32, #tpu.memory_space<vmem_shared>>)
      tpu.yield
    }) : () -> ()
    %add3A_11 = arith.constant 512 : i32
    %add3A_12 = arith.addi %mul3A_4, %add3A_11 : i32
    "tpu.region"() ({
      %run_scoped3A_46 = tpu.sem_alloc : memref<!tpu.dma_semaphore, #tpu.memory_space<semaphore_mem>>
      %dma_start3A = arith.constant 0 : i32
      %dma_start3A_47 = tpu.memref_slice %arg11[%add3A_12, %dma_start3A] : memref<16384x32xf32, #tpu.memory_space<vmem_shared>> -> memref<512x32xf32, #tpu.memory_space<vmem_shared>>
      %dma_start3A_48 = arith.constant 0 : i32
      %dma_start3A_49 = tpu.memref_slice %arg11[%add3A_12, %dma_start3A_48] : memref<16384x32xf32, #tpu.memory_space<vmem_shared>> -> memref<512x32xf32, #tpu.memory_space<vmem_shared>>
      tpu.enqueue_dma source(%arg14 : memref<512x32xf32, #tpu.memory_space<vmem>>) target(%dma_start3A_49 : memref<512x32xf32, #tpu.memory_space<vmem_shared>>) target_semaphore(%run_scoped3A_46 : memref<!tpu.dma_semaphore, #tpu.memory_space<semaphore_mem>>)
      %dma_wait3A = arith.constant 0 : i32
      %dma_wait3A_50 = tpu.memref_slice %arg11[%add3A_12, %dma_wait3A] : memref<16384x32xf32, #tpu.memory_space<vmem_shared>> -> memref<512x32xf32, #tpu.memory_space<vmem_shared>>
      %dma_wait3A_51 = arith.constant 0 : i32
      %dma_wait3A_52 = tpu.memref_slice %arg11[%add3A_12, %dma_wait3A_51] : memref<16384x32xf32, #tpu.memory_space<vmem_shared>> -> memref<512x32xf32, #tpu.memory_space<vmem_shared>>
      tpu.wait_dma2 semaphore(%run_scoped3A_46 : memref<!tpu.dma_semaphore, #tpu.memory_space<semaphore_mem>>) src(%arg14 : memref<512x32xf32, #tpu.memory_space<vmem>>) dst(%dma_wait3A_52 : memref<512x32xf32, #tpu.memory_space<vmem_shared>>)
      tpu.yield
    }) : () -> ()
    %barrier3A = arith.constant 0 : index
    tpu.barrier barrier_id(%barrier3A)
    %eq3A = arith.constant 0 : i32
    %eq3A_13 = arith.cmpi eq, %arg0, %eq3A : i32
    %convert_element_type3A = arith.extui %eq3A_13 : i1 to i32
    %cond3A = arith.constant 0 : i32
    %cond3A_14 = arith.cmpi ne, %convert_element_type3A, %cond3A : i32
    scf.if %cond3A_14 {
      "tpu.region"() ({
        %run_scoped3A_46 = tpu.sem_alloc : memref<!tpu.dma_semaphore, #tpu.memory_space<semaphore_mem>>
        %dma_start3A = arith.constant 0 : i32
        %dma_start3A_47 = tpu.memref_slice %arg2[%mul3A_2, %dma_start3A] : memref<16384x32xf32, #tpu.memory_space<hbm>> -> memref<512x32xf32, #tpu.memory_space<hbm>>
        %dma_start3A_48 = arith.constant 0 : i32
        %dma_start3A_49 = tpu.memref_slice %arg2[%mul3A_2, %dma_start3A_48] : memref<16384x32xf32, #tpu.memory_space<hbm>> -> memref<512x32xf32, #tpu.memory_space<hbm>>
        tpu.enqueue_dma source(%dma_start3A_49 : memref<512x32xf32, #tpu.memory_space<hbm>>) target(%arg14 : memref<512x32xf32, #tpu.memory_space<vmem>>) target_semaphore(%run_scoped3A_46 : memref<!tpu.dma_semaphore, #tpu.memory_space<semaphore_mem>>)
        %dma_wait3A = arith.constant 0 : i32
        %dma_wait3A_50 = tpu.memref_slice %arg2[%mul3A_2, %dma_wait3A] : memref<16384x32xf32, #tpu.memory_space<hbm>> -> memref<512x32xf32, #tpu.memory_space<hbm>>
        %dma_wait3A_51 = arith.constant 0 : i32
        %dma_wait3A_52 = tpu.memref_slice %arg2[%mul3A_2, %dma_wait3A_51] : memref<16384x32xf32, #tpu.memory_space<hbm>> -> memref<512x32xf32, #tpu.memory_space<hbm>>
        tpu.wait_dma2 semaphore(%run_scoped3A_46 : memref<!tpu.dma_semaphore, #tpu.memory_space<semaphore_mem>>) src(%dma_wait3A_52 : memref<512x32xf32, #tpu.memory_space<hbm>>) dst(%arg14 : memref<512x32xf32, #tpu.memory_space<vmem>>)
        tpu.yield
      }) : () -> ()
    } else {
    }
    %eq3A_15 = arith.constant 1 : i32
    %eq3A_16 = arith.cmpi eq, %arg0, %eq3A_15 : i32
    %convert_element_type3A_17 = arith.extui %eq3A_16 : i1 to i32
    %cond3A_18 = arith.constant 0 : i32
    %cond3A_19 = arith.cmpi ne, %convert_element_type3A_17, %cond3A_18 : i32
    scf.if %cond3A_19 {
      "tpu.region"() ({
        %run_scoped3A_46 = tpu.sem_alloc : memref<!tpu.dma_semaphore, #tpu.memory_space<semaphore_mem>>
        %dma_start3A = arith.constant 0 : i32
        %dma_start3A_47 = tpu.memref_slice %arg3[%mul3A_2, %dma_start3A] : memref<16384x32xf32, #tpu.memory_space<hbm>> -> memref<512x32xf32, #tpu.memory_space<hbm>>
        %dma_start3A_48 = arith.constant 0 : i32
        %dma_start3A_49 = tpu.memref_slice %arg3[%mul3A_2, %dma_start3A_48] : memref<16384x32xf32, #tpu.memory_space<hbm>> -> memref<512x32xf32, #tpu.memory_space<hbm>>
        tpu.enqueue_dma source(%dma_start3A_49 : memref<512x32xf32, #tpu.memory_space<hbm>>) target(%arg14 : memref<512x32xf32, #tpu.memory_space<vmem>>) target_semaphore(%run_scoped3A_46 : memref<!tpu.dma_semaphore, #tpu.memory_space<semaphore_mem>>)
        %dma_wait3A = arith.constant 0 : i32
        %dma_wait3A_50 = tpu.memref_slice %arg3[%mul3A_2, %dma_wait3A] : memref<16384x32xf32, #tpu.memory_space<hbm>> -> memref<512x32xf32, #tpu.memory_space<hbm>>
        %dma_wait3A_51 = arith.constant 0 : i32
        %dma_wait3A_52 = tpu.memref_slice %arg3[%mul3A_2, %dma_wait3A_51] : memref<16384x32xf32, #tpu.memory_space<hbm>> -> memref<512x32xf32, #tpu.memory_space<hbm>>
        tpu.wait_dma2 semaphore(%run_scoped3A_46 : memref<!tpu.dma_semaphore, #tpu.memory_space<semaphore_mem>>) src(%dma_wait3A_52 : memref<512x32xf32, #tpu.memory_space<hbm>>) dst(%arg14 : memref<512x32xf32, #tpu.memory_space<vmem>>)
        tpu.yield
      }) : () -> ()
    } else {
    }
    %run_scoped3A = arith.constant 0 : i32
    "tpu.region"() ({
      %run_scoped3A_46 = tpu.sem_alloc : memref<!tpu.dma_semaphore, #tpu.memory_space<semaphore_mem>>
      %dma_start3A = arith.constant 0 : i32
      %dma_start3A_47 = arith.constant 0 : i32
      %dma_start3A_48 = tpu.memref_slice %arg14[%dma_start3A, %dma_start3A_47] : memref<512x32xf32, #tpu.memory_space<vmem>> -> memref<128x32xf32, #tpu.memory_space<vmem>>
      %dma_start3A_49 = arith.constant 0 : i32
      %dma_start3A_50 = tpu.memref_slice %arg13[%run_scoped3A, %dma_start3A_49] : memref<4x128xi32, #tpu.memory_space<vmem>> -> memref<1x128xi32, #tpu.memory_space<vmem>>
      %dma_start3A_51 = tpu.memref_squeeze %dma_start3A_50 : memref<1x128xi32, #tpu.memory_space<vmem>> -> memref<128xi32, #tpu.memory_space<vmem>>
      %dma_start3A_52 = arith.constant 0 : i32
      %dma_start3A_53 = arith.constant 0 : i32
      %dma_start3A_54 = tpu.memref_slice %arg11[%dma_start3A_52, %dma_start3A_53] : memref<16384x32xf32, #tpu.memory_space<vmem_shared>> -> memref<16384x32xf32, #tpu.memory_space<vmem_shared>>
      tpu.enqueue_indirect_dma source(%dma_start3A_48 : memref<128x32xf32, #tpu.memory_space<vmem>>) target(%dma_start3A_54 : memref<16384x32xf32, #tpu.memory_space<vmem_shared>>) offsets(%dma_start3A_51 : memref<128xi32, #tpu.memory_space<vmem>>) semaphore(%run_scoped3A_46 : memref<!tpu.dma_semaphore, #tpu.memory_space<semaphore_mem>>) {add = true}
      %dma_wait3A = arith.constant 0 : i32
      %dma_wait3A_55 = arith.constant 0 : i32
      %dma_wait3A_56 = tpu.memref_slice %arg14[%dma_wait3A, %dma_wait3A_55] : memref<512x32xf32, #tpu.memory_space<vmem>> -> memref<128x32xf32, #tpu.memory_space<vmem>>
      %dma_wait3A_57 = arith.constant 0 : i32
      %dma_wait3A_58 = tpu.memref_slice %arg13[%run_scoped3A, %dma_wait3A_57] : memref<4x128xi32, #tpu.memory_space<vmem>> -> memref<1x128xi32, #tpu.memory_space<vmem>>
      %dma_wait3A_59 = tpu.memref_squeeze %dma_wait3A_58 : memref<1x128xi32, #tpu.memory_space<vmem>> -> memref<128xi32, #tpu.memory_space<vmem>>
      %dma_wait3A_60 = arith.constant 0 : i32
      %dma_wait3A_61 = arith.constant 0 : i32
      %dma_wait3A_62 = tpu.memref_slice %arg11[%dma_wait3A_60, %dma_wait3A_61] : memref<16384x32xf32, #tpu.memory_space<vmem_shared>> -> memref<16384x32xf32, #tpu.memory_space<vmem_shared>>
      tpu.wait_indirect_dma semaphore(%run_scoped3A_46 : memref<!tpu.dma_semaphore, #tpu.memory_space<semaphore_mem>>) src(%dma_wait3A_56 : memref<128x32xf32, #tpu.memory_space<vmem>>) dst(%dma_wait3A_62 : memref<16384x32xf32, #tpu.memory_space<vmem_shared>>)
      tpu.yield
    }) : () -> ()
    %run_scoped3A_20 = arith.constant 1 : i32
    "tpu.region"() ({
      %run_scoped3A_46 = tpu.sem_alloc : memref<!tpu.dma_semaphore, #tpu.memory_space<semaphore_mem>>
      %dma_start3A = arith.constant 128 : i32
      %dma_start3A_47 = arith.constant 0 : i32
      %dma_start3A_48 = tpu.memref_slice %arg14[%dma_start3A, %dma_start3A_47] : memref<512x32xf32, #tpu.memory_space<vmem>> -> memref<128x32xf32, #tpu.memory_space<vmem>>
      %dma_start3A_49 = arith.constant 0 : i32
      %dma_start3A_50 = tpu.memref_slice %arg13[%run_scoped3A_20, %dma_start3A_49] : memref<4x128xi32, #tpu.memory_space<vmem>> -> memref<1x128xi32, #tpu.memory_space<vmem>>
      %dma_start3A_51 = tpu.memref_squeeze %dma_start3A_50 : memref<1x128xi32, #tpu.memory_space<vmem>> -> memref<128xi32, #tpu.memory_space<vmem>>
      %dma_start3A_52 = arith.constant 0 : i32
      %dma_start3A_53 = arith.constant 0 : i32
      %dma_start3A_54 = tpu.memref_slice %arg11[%dma_start3A_52, %dma_start3A_53] : memref<16384x32xf32, #tpu.memory_space<vmem_shared>> -> memref<16384x32xf32, #tpu.memory_space<vmem_shared>>
      tpu.enqueue_indirect_dma source(%dma_start3A_48 : memref<128x32xf32, #tpu.memory_space<vmem>>) target(%dma_start3A_54 : memref<16384x32xf32, #tpu.memory_space<vmem_shared>>) offsets(%dma_start3A_51 : memref<128xi32, #tpu.memory_space<vmem>>) semaphore(%run_scoped3A_46 : memref<!tpu.dma_semaphore, #tpu.memory_space<semaphore_mem>>) {add = true}
      %dma_wait3A = arith.constant 128 : i32
      %dma_wait3A_55 = arith.constant 0 : i32
      %dma_wait3A_56 = tpu.memref_slice %arg14[%dma_wait3A, %dma_wait3A_55] : memref<512x32xf32, #tpu.memory_space<vmem>> -> memref<128x32xf32, #tpu.memory_space<vmem>>
      %dma_wait3A_57 = arith.constant 0 : i32
      %dma_wait3A_58 = tpu.memref_slice %arg13[%run_scoped3A_20, %dma_wait3A_57] : memref<4x128xi32, #tpu.memory_space<vmem>> -> memref<1x128xi32, #tpu.memory_space<vmem>>
      %dma_wait3A_59 = tpu.memref_squeeze %dma_wait3A_58 : memref<1x128xi32, #tpu.memory_space<vmem>> -> memref<128xi32, #tpu.memory_space<vmem>>
      %dma_wait3A_60 = arith.constant 0 : i32
      %dma_wait3A_61 = arith.constant 0 : i32
      %dma_wait3A_62 = tpu.memref_slice %arg11[%dma_wait3A_60, %dma_wait3A_61] : memref<16384x32xf32, #tpu.memory_space<vmem_shared>> -> memref<16384x32xf32, #tpu.memory_space<vmem_shared>>
      tpu.wait_indirect_dma semaphore(%run_scoped3A_46 : memref<!tpu.dma_semaphore, #tpu.memory_space<semaphore_mem>>) src(%dma_wait3A_56 : memref<128x32xf32, #tpu.memory_space<vmem>>) dst(%dma_wait3A_62 : memref<16384x32xf32, #tpu.memory_space<vmem_shared>>)
      tpu.yield
    }) : () -> ()
    %run_scoped3A_21 = arith.constant 2 : i32
    "tpu.region"() ({
      %run_scoped3A_46 = tpu.sem_alloc : memref<!tpu.dma_semaphore, #tpu.memory_space<semaphore_mem>>
      %dma_start3A = arith.constant 256 : i32
      %dma_start3A_47 = arith.constant 0 : i32
      %dma_start3A_48 = tpu.memref_slice %arg14[%dma_start3A, %dma_start3A_47] : memref<512x32xf32, #tpu.memory_space<vmem>> -> memref<128x32xf32, #tpu.memory_space<vmem>>
      %dma_start3A_49 = arith.constant 0 : i32
      %dma_start3A_50 = tpu.memref_slice %arg13[%run_scoped3A_21, %dma_start3A_49] : memref<4x128xi32, #tpu.memory_space<vmem>> -> memref<1x128xi32, #tpu.memory_space<vmem>>
      %dma_start3A_51 = tpu.memref_squeeze %dma_start3A_50 : memref<1x128xi32, #tpu.memory_space<vmem>> -> memref<128xi32, #tpu.memory_space<vmem>>
      %dma_start3A_52 = arith.constant 0 : i32
      %dma_start3A_53 = arith.constant 0 : i32
      %dma_start3A_54 = tpu.memref_slice %arg11[%dma_start3A_52, %dma_start3A_53] : memref<16384x32xf32, #tpu.memory_space<vmem_shared>> -> memref<16384x32xf32, #tpu.memory_space<vmem_shared>>
      tpu.enqueue_indirect_dma source(%dma_start3A_48 : memref<128x32xf32, #tpu.memory_space<vmem>>) target(%dma_start3A_54 : memref<16384x32xf32, #tpu.memory_space<vmem_shared>>) offsets(%dma_start3A_51 : memref<128xi32, #tpu.memory_space<vmem>>) semaphore(%run_scoped3A_46 : memref<!tpu.dma_semaphore, #tpu.memory_space<semaphore_mem>>) {add = true}
      %dma_wait3A = arith.constant 256 : i32
      %dma_wait3A_55 = arith.constant 0 : i32
      %dma_wait3A_56 = tpu.memref_slice %arg14[%dma_wait3A, %dma_wait3A_55] : memref<512x32xf32, #tpu.memory_space<vmem>> -> memref<128x32xf32, #tpu.memory_space<vmem>>
      %dma_wait3A_57 = arith.constant 0 : i32
      %dma_wait3A_58 = tpu.memref_slice %arg13[%run_scoped3A_21, %dma_wait3A_57] : memref<4x128xi32, #tpu.memory_space<vmem>> -> memref<1x128xi32, #tpu.memory_space<vmem>>
      %dma_wait3A_59 = tpu.memref_squeeze %dma_wait3A_58 : memref<1x128xi32, #tpu.memory_space<vmem>> -> memref<128xi32, #tpu.memory_space<vmem>>
      %dma_wait3A_60 = arith.constant 0 : i32
      %dma_wait3A_61 = arith.constant 0 : i32
      %dma_wait3A_62 = tpu.memref_slice %arg11[%dma_wait3A_60, %dma_wait3A_61] : memref<16384x32xf32, #tpu.memory_space<vmem_shared>> -> memref<16384x32xf32, #tpu.memory_space<vmem_shared>>
      tpu.wait_indirect_dma semaphore(%run_scoped3A_46 : memref<!tpu.dma_semaphore, #tpu.memory_space<semaphore_mem>>) src(%dma_wait3A_56 : memref<128x32xf32, #tpu.memory_space<vmem>>) dst(%dma_wait3A_62 : memref<16384x32xf32, #tpu.memory_space<vmem_shared>>)
      tpu.yield
    }) : () -> ()
    %run_scoped3A_22 = arith.constant 3 : i32
    "tpu.region"() ({
      %run_scoped3A_46 = tpu.sem_alloc : memref<!tpu.dma_semaphore, #tpu.memory_space<semaphore_mem>>
      %dma_start3A = arith.constant 384 : i32
      %dma_start3A_47 = arith.constant 0 : i32
      %dma_start3A_48 = tpu.memref_slice %arg14[%dma_start3A, %dma_start3A_47] : memref<512x32xf32, #tpu.memory_space<vmem>> -> memref<128x32xf32, #tpu.memory_space<vmem>>
      %dma_start3A_49 = arith.constant 0 : i32
      %dma_start3A_50 = tpu.memref_slice %arg13[%run_scoped3A_22, %dma_start3A_49] : memref<4x128xi32, #tpu.memory_space<vmem>> -> memref<1x128xi32, #tpu.memory_space<vmem>>
      %dma_start3A_51 = tpu.memref_squeeze %dma_start3A_50 : memref<1x128xi32, #tpu.memory_space<vmem>> -> memref<128xi32, #tpu.memory_space<vmem>>
      %dma_start3A_52 = arith.constant 0 : i32
      %dma_start3A_53 = arith.constant 0 : i32
      %dma_start3A_54 = tpu.memref_slice %arg11[%dma_start3A_52, %dma_start3A_53] : memref<16384x32xf32, #tpu.memory_space<vmem_shared>> -> memref<16384x32xf32, #tpu.memory_space<vmem_shared>>
      tpu.enqueue_indirect_dma source(%dma_start3A_48 : memref<128x32xf32, #tpu.memory_space<vmem>>) target(%dma_start3A_54 : memref<16384x32xf32, #tpu.memory_space<vmem_shared>>) offsets(%dma_start3A_51 : memref<128xi32, #tpu.memory_space<vmem>>) semaphore(%run_scoped3A_46 : memref<!tpu.dma_semaphore, #tpu.memory_space<semaphore_mem>>) {add = true}
      %dma_wait3A = arith.constant 384 : i32
      %dma_wait3A_55 = arith.constant 0 : i32
      %dma_wait3A_56 = tpu.memref_slice %arg14[%dma_wait3A, %dma_wait3A_55] : memref<512x32xf32, #tpu.memory_space<vmem>> -> memref<128x32xf32, #tpu.memory_space<vmem>>
      %dma_wait3A_57 = arith.constant 0 : i32
      %dma_wait3A_58 = tpu.memref_slice %arg13[%run_scoped3A_22, %dma_wait3A_57] : memref<4x128xi32, #tpu.memory_space<vmem>> -> memref<1x128xi32, #tpu.memory_space<vmem>>
      %dma_wait3A_59 = tpu.memref_squeeze %dma_wait3A_58 : memref<1x128xi32, #tpu.memory_space<vmem>> -> memref<128xi32, #tpu.memory_space<vmem>>
      %dma_wait3A_60 = arith.constant 0 : i32
      %dma_wait3A_61 = arith.constant 0 : i32
      %dma_wait3A_62 = tpu.memref_slice %arg11[%dma_wait3A_60, %dma_wait3A_61] : memref<16384x32xf32, #tpu.memory_space<vmem_shared>> -> memref<16384x32xf32, #tpu.memory_space<vmem_shared>>
      tpu.wait_indirect_dma semaphore(%run_scoped3A_46 : memref<!tpu.dma_semaphore, #tpu.memory_space<semaphore_mem>>) src(%dma_wait3A_56 : memref<128x32xf32, #tpu.memory_space<vmem>>) dst(%dma_wait3A_62 : memref<16384x32xf32, #tpu.memory_space<vmem_shared>>)
      tpu.yield
    }) : () -> ()
    %run_scoped3A_23 = arith.constant 0 : i32
    "tpu.region"() ({
      %run_scoped3A_46 = tpu.sem_alloc : memref<!tpu.dma_semaphore, #tpu.memory_space<semaphore_mem>>
      %dma_start3A = arith.constant 0 : i32
      %dma_start3A_47 = tpu.memref_slice %arg12[%run_scoped3A_23, %dma_start3A] : memref<4x128xi32, #tpu.memory_space<vmem>> -> memref<1x128xi32, #tpu.memory_space<vmem>>
      %dma_start3A_48 = tpu.memref_squeeze %dma_start3A_47 : memref<1x128xi32, #tpu.memory_space<vmem>> -> memref<128xi32, #tpu.memory_space<vmem>>
      %dma_start3A_49 = arith.constant 0 : i32
      %dma_start3A_50 = arith.constant 0 : i32
      %dma_start3A_51 = tpu.memref_slice %arg6[%dma_start3A_49, %dma_start3A_50] : memref<100000x128xf32, #tpu.memory_space<hbm>> -> memref<100000x128xf32, #tpu.memory_space<hbm>>
      tpu.enqueue_indirect_dma source(%dma_start3A_51 : memref<100000x128xf32, #tpu.memory_space<hbm>>) target(%arg15 : memref<128x128xf32, #tpu.memory_space<vmem>>) offsets(%dma_start3A_48 : memref<128xi32, #tpu.memory_space<vmem>>) semaphore(%run_scoped3A_46 : memref<!tpu.dma_semaphore, #tpu.memory_space<semaphore_mem>>)
      %dma_wait3A = arith.constant 0 : i32
      %dma_wait3A_52 = tpu.memref_slice %arg12[%run_scoped3A_23, %dma_wait3A] : memref<4x128xi32, #tpu.memory_space<vmem>> -> memref<1x128xi32, #tpu.memory_space<vmem>>
      %dma_wait3A_53 = tpu.memref_squeeze %dma_wait3A_52 : memref<1x128xi32, #tpu.memory_space<vmem>> -> memref<128xi32, #tpu.memory_space<vmem>>
      %dma_wait3A_54 = arith.constant 0 : i32
      %dma_wait3A_55 = arith.constant 0 : i32
      %dma_wait3A_56 = tpu.memref_slice %arg6[%dma_wait3A_54, %dma_wait3A_55] : memref<100000x128xf32, #tpu.memory_space<hbm>> -> memref<100000x128xf32, #tpu.memory_space<hbm>>
      tpu.wait_indirect_dma semaphore(%run_scoped3A_46 : memref<!tpu.dma_semaphore, #tpu.memory_space<semaphore_mem>>) src(%dma_wait3A_56 : memref<100000x128xf32, #tpu.memory_space<hbm>>) dst(%arg15 : memref<128x128xf32, #tpu.memory_space<vmem>>)
      tpu.yield
    }) : () -> ()
    %add3A_24 = arith.constant 0 : i32
    %add3A_25 = arith.addi %mul3A_2, %add3A_24 : i32
    "tpu.region"() ({
      %run_scoped3A_46 = tpu.sem_alloc : memref<!tpu.dma_semaphore, #tpu.memory_space<semaphore_mem>>
      %dma_start3A = arith.constant 0 : i32
      %dma_start3A_47 = tpu.memref_slice %arg10[%add3A_25, %dma_start3A] : memref<16384x128xf32, #tpu.memory_space<hbm>> -> memref<128x128xf32, #tpu.memory_space<hbm>>
      %dma_start3A_48 = arith.constant 0 : i32
      %dma_start3A_49 = tpu.memref_slice %arg10[%add3A_25, %dma_start3A_48] : memref<16384x128xf32, #tpu.memory_space<hbm>> -> memref<128x128xf32, #tpu.memory_space<hbm>>
      tpu.enqueue_dma source(%arg15 : memref<128x128xf32, #tpu.memory_space<vmem>>) target(%dma_start3A_49 : memref<128x128xf32, #tpu.memory_space<hbm>>) target_semaphore(%run_scoped3A_46 : memref<!tpu.dma_semaphore, #tpu.memory_space<semaphore_mem>>)
      %dma_wait3A = arith.constant 0 : i32
      %dma_wait3A_50 = tpu.memref_slice %arg10[%add3A_25, %dma_wait3A] : memref<16384x128xf32, #tpu.memory_space<hbm>> -> memref<128x128xf32, #tpu.memory_space<hbm>>
      %dma_wait3A_51 = arith.constant 0 : i32
      %dma_wait3A_52 = tpu.memref_slice %arg10[%add3A_25, %dma_wait3A_51] : memref<16384x128xf32, #tpu.memory_space<hbm>> -> memref<128x128xf32, #tpu.memory_space<hbm>>
      tpu.wait_dma2 semaphore(%run_scoped3A_46 : memref<!tpu.dma_semaphore, #tpu.memory_space<semaphore_mem>>) src(%arg15 : memref<128x128xf32, #tpu.memory_space<vmem>>) dst(%dma_wait3A_52 : memref<128x128xf32, #tpu.memory_space<hbm>>)
      tpu.yield
    }) : () -> ()
    %run_scoped3A_26 = arith.constant 1 : i32
    "tpu.region"() ({
      %run_scoped3A_46 = tpu.sem_alloc : memref<!tpu.dma_semaphore, #tpu.memory_space<semaphore_mem>>
      %dma_start3A = arith.constant 0 : i32
      %dma_start3A_47 = tpu.memref_slice %arg12[%run_scoped3A_26, %dma_start3A] : memref<4x128xi32, #tpu.memory_space<vmem>> -> memref<1x128xi32, #tpu.memory_space<vmem>>
      %dma_start3A_48 = tpu.memref_squeeze %dma_start3A_47 : memref<1x128xi32, #tpu.memory_space<vmem>> -> memref<128xi32, #tpu.memory_space<vmem>>
      %dma_start3A_49 = arith.constant 0 : i32
      %dma_start3A_50 = arith.constant 0 : i32
      %dma_start3A_51 = tpu.memref_slice %arg6[%dma_start3A_49, %dma_start3A_50] : memref<100000x128xf32, #tpu.memory_space<hbm>> -> memref<100000x128xf32, #tpu.memory_space<hbm>>
      tpu.enqueue_indirect_dma source(%dma_start3A_51 : memref<100000x128xf32, #tpu.memory_space<hbm>>) target(%arg15 : memref<128x128xf32, #tpu.memory_space<vmem>>) offsets(%dma_start3A_48 : memref<128xi32, #tpu.memory_space<vmem>>) semaphore(%run_scoped3A_46 : memref<!tpu.dma_semaphore, #tpu.memory_space<semaphore_mem>>)
      %dma_wait3A = arith.constant 0 : i32
      %dma_wait3A_52 = tpu.memref_slice %arg12[%run_scoped3A_26, %dma_wait3A] : memref<4x128xi32, #tpu.memory_space<vmem>> -> memref<1x128xi32, #tpu.memory_space<vmem>>
      %dma_wait3A_53 = tpu.memref_squeeze %dma_wait3A_52 : memref<1x128xi32, #tpu.memory_space<vmem>> -> memref<128xi32, #tpu.memory_space<vmem>>
      %dma_wait3A_54 = arith.constant 0 : i32
      %dma_wait3A_55 = arith.constant 0 : i32
      %dma_wait3A_56 = tpu.memref_slice %arg6[%dma_wait3A_54, %dma_wait3A_55] : memref<100000x128xf32, #tpu.memory_space<hbm>> -> memref<100000x128xf32, #tpu.memory_space<hbm>>
      tpu.wait_indirect_dma semaphore(%run_scoped3A_46 : memref<!tpu.dma_semaphore, #tpu.memory_space<semaphore_mem>>) src(%dma_wait3A_56 : memref<100000x128xf32, #tpu.memory_space<hbm>>) dst(%arg15 : memref<128x128xf32, #tpu.memory_space<vmem>>)
      tpu.yield
    }) : () -> ()
    %add3A_27 = arith.constant 128 : i32
    %add3A_28 = arith.addi %mul3A_2, %add3A_27 : i32
    "tpu.region"() ({
      %run_scoped3A_46 = tpu.sem_alloc : memref<!tpu.dma_semaphore, #tpu.memory_space<semaphore_mem>>
      %dma_start3A = arith.constant 0 : i32
      %dma_start3A_47 = tpu.memref_slice %arg10[%add3A_28, %dma_start3A] : memref<16384x128xf32, #tpu.memory_space<hbm>> -> memref<128x128xf32, #tpu.memory_space<hbm>>
      %dma_start3A_48 = arith.constant 0 : i32
      %dma_start3A_49 = tpu.memref_slice %arg10[%add3A_28, %dma_start3A_48] : memref<16384x128xf32, #tpu.memory_space<hbm>> -> memref<128x128xf32, #tpu.memory_space<hbm>>
      tpu.enqueue_dma source(%arg15 : memref<128x128xf32, #tpu.memory_space<vmem>>) target(%dma_start3A_49 : memref<128x128xf32, #tpu.memory_space<hbm>>) target_semaphore(%run_scoped3A_46 : memref<!tpu.dma_semaphore, #tpu.memory_space<semaphore_mem>>)
      %dma_wait3A = arith.constant 0 : i32
      %dma_wait3A_50 = tpu.memref_slice %arg10[%add3A_28, %dma_wait3A] : memref<16384x128xf32, #tpu.memory_space<hbm>> -> memref<128x128xf32, #tpu.memory_space<hbm>>
      %dma_wait3A_51 = arith.constant 0 : i32
      %dma_wait3A_52 = tpu.memref_slice %arg10[%add3A_28, %dma_wait3A_51] : memref<16384x128xf32, #tpu.memory_space<hbm>> -> memref<128x128xf32, #tpu.memory_space<hbm>>
      tpu.wait_dma2 semaphore(%run_scoped3A_46 : memref<!tpu.dma_semaphore, #tpu.memory_space<semaphore_mem>>) src(%arg15 : memref<128x128xf32, #tpu.memory_space<vmem>>) dst(%dma_wait3A_52 : memref<128x128xf32, #tpu.memory_space<hbm>>)
      tpu.yield
    }) : () -> ()
    %run_scoped3A_29 = arith.constant 2 : i32
    "tpu.region"() ({
      %run_scoped3A_46 = tpu.sem_alloc : memref<!tpu.dma_semaphore, #tpu.memory_space<semaphore_mem>>
      %dma_start3A = arith.constant 0 : i32
      %dma_start3A_47 = tpu.memref_slice %arg12[%run_scoped3A_29, %dma_start3A] : memref<4x128xi32, #tpu.memory_space<vmem>> -> memref<1x128xi32, #tpu.memory_space<vmem>>
      %dma_start3A_48 = tpu.memref_squeeze %dma_start3A_47 : memref<1x128xi32, #tpu.memory_space<vmem>> -> memref<128xi32, #tpu.memory_space<vmem>>
      %dma_start3A_49 = arith.constant 0 : i32
      %dma_start3A_50 = arith.constant 0 : i32
      %dma_start3A_51 = tpu.memref_slice %arg6[%dma_start3A_49, %dma_start3A_50] : memref<100000x128xf32, #tpu.memory_space<hbm>> -> memref<100000x128xf32, #tpu.memory_space<hbm>>
      tpu.enqueue_indirect_dma source(%dma_start3A_51 : memref<100000x128xf32, #tpu.memory_space<hbm>>) target(%arg15 : memref<128x128xf32, #tpu.memory_space<vmem>>) offsets(%dma_start3A_48 : memref<128xi32, #tpu.memory_space<vmem>>) semaphore(%run_scoped3A_46 : memref<!tpu.dma_semaphore, #tpu.memory_space<semaphore_mem>>)
      %dma_wait3A = arith.constant 0 : i32
      %dma_wait3A_52 = tpu.memref_slice %arg12[%run_scoped3A_29, %dma_wait3A] : memref<4x128xi32, #tpu.memory_space<vmem>> -> memref<1x128xi32, #tpu.memory_space<vmem>>
      %dma_wait3A_53 = tpu.memref_squeeze %dma_wait3A_52 : memref<1x128xi32, #tpu.memory_space<vmem>> -> memref<128xi32, #tpu.memory_space<vmem>>
      %dma_wait3A_54 = arith.constant 0 : i32
      %dma_wait3A_55 = arith.constant 0 : i32
      %dma_wait3A_56 = tpu.memref_slice %arg6[%dma_wait3A_54, %dma_wait3A_55] : memref<100000x128xf32, #tpu.memory_space<hbm>> -> memref<100000x128xf32, #tpu.memory_space<hbm>>
      tpu.wait_indirect_dma semaphore(%run_scoped3A_46 : memref<!tpu.dma_semaphore, #tpu.memory_space<semaphore_mem>>) src(%dma_wait3A_56 : memref<100000x128xf32, #tpu.memory_space<hbm>>) dst(%arg15 : memref<128x128xf32, #tpu.memory_space<vmem>>)
      tpu.yield
    }) : () -> ()
    %add3A_30 = arith.constant 256 : i32
    %add3A_31 = arith.addi %mul3A_2, %add3A_30 : i32
    "tpu.region"() ({
      %run_scoped3A_46 = tpu.sem_alloc : memref<!tpu.dma_semaphore, #tpu.memory_space<semaphore_mem>>
      %dma_start3A = arith.constant 0 : i32
      %dma_start3A_47 = tpu.memref_slice %arg10[%add3A_31, %dma_start3A] : memref<16384x128xf32, #tpu.memory_space<hbm>> -> memref<128x128xf32, #tpu.memory_space<hbm>>
      %dma_start3A_48 = arith.constant 0 : i32
      %dma_start3A_49 = tpu.memref_slice %arg10[%add3A_31, %dma_start3A_48] : memref<16384x128xf32, #tpu.memory_space<hbm>> -> memref<128x128xf32, #tpu.memory_space<hbm>>
      tpu.enqueue_dma source(%arg15 : memref<128x128xf32, #tpu.memory_space<vmem>>) target(%dma_start3A_49 : memref<128x128xf32, #tpu.memory_space<hbm>>) target_semaphore(%run_scoped3A_46 : memref<!tpu.dma_semaphore, #tpu.memory_space<semaphore_mem>>)
      %dma_wait3A = arith.constant 0 : i32
      %dma_wait3A_50 = tpu.memref_slice %arg10[%add3A_31, %dma_wait3A] : memref<16384x128xf32, #tpu.memory_space<hbm>> -> memref<128x128xf32, #tpu.memory_space<hbm>>
      %dma_wait3A_51 = arith.constant 0 : i32
      %dma_wait3A_52 = tpu.memref_slice %arg10[%add3A_31, %dma_wait3A_51] : memref<16384x128xf32, #tpu.memory_space<hbm>> -> memref<128x128xf32, #tpu.memory_space<hbm>>
      tpu.wait_dma2 semaphore(%run_scoped3A_46 : memref<!tpu.dma_semaphore, #tpu.memory_space<semaphore_mem>>) src(%arg15 : memref<128x128xf32, #tpu.memory_space<vmem>>) dst(%dma_wait3A_52 : memref<128x128xf32, #tpu.memory_space<hbm>>)
      tpu.yield
    }) : () -> ()
    %run_scoped3A_32 = arith.constant 3 : i32
    "tpu.region"() ({
      %run_scoped3A_46 = tpu.sem_alloc : memref<!tpu.dma_semaphore, #tpu.memory_space<semaphore_mem>>
      %dma_start3A = arith.constant 0 : i32
      %dma_start3A_47 = tpu.memref_slice %arg12[%run_scoped3A_32, %dma_start3A] : memref<4x128xi32, #tpu.memory_space<vmem>> -> memref<1x128xi32, #tpu.memory_space<vmem>>
      %dma_start3A_48 = tpu.memref_squeeze %dma_start3A_47 : memref<1x128xi32, #tpu.memory_space<vmem>> -> memref<128xi32, #tpu.memory_space<vmem>>
      %dma_start3A_49 = arith.constant 0 : i32
      %dma_start3A_50 = arith.constant 0 : i32
      %dma_start3A_51 = tpu.memref_slice %arg6[%dma_start3A_49, %dma_start3A_50] : memref<100000x128xf32, #tpu.memory_space<hbm>> -> memref<100000x128xf32, #tpu.memory_space<hbm>>
      tpu.enqueue_indirect_dma source(%dma_start3A_51 : memref<100000x128xf32, #tpu.memory_space<hbm>>) target(%arg15 : memref<128x128xf32, #tpu.memory_space<vmem>>) offsets(%dma_start3A_48 : memref<128xi32, #tpu.memory_space<vmem>>) semaphore(%run_scoped3A_46 : memref<!tpu.dma_semaphore, #tpu.memory_space<semaphore_mem>>)
      %dma_wait3A = arith.constant 0 : i32
      %dma_wait3A_52 = tpu.memref_slice %arg12[%run_scoped3A_32, %dma_wait3A] : memref<4x128xi32, #tpu.memory_space<vmem>> -> memref<1x128xi32, #tpu.memory_space<vmem>>
      %dma_wait3A_53 = tpu.memref_squeeze %dma_wait3A_52 : memref<1x128xi32, #tpu.memory_space<vmem>> -> memref<128xi32, #tpu.memory_space<vmem>>
      %dma_wait3A_54 = arith.constant 0 : i32
      %dma_wait3A_55 = arith.constant 0 : i32
      %dma_wait3A_56 = tpu.memref_slice %arg6[%dma_wait3A_54, %dma_wait3A_55] : memref<100000x128xf32, #tpu.memory_space<hbm>> -> memref<100000x128xf32, #tpu.memory_space<hbm>>
      tpu.wait_indirect_dma semaphore(%run_scoped3A_46 : memref<!tpu.dma_semaphore, #tpu.memory_space<semaphore_mem>>) src(%dma_wait3A_56 : memref<100000x128xf32, #tpu.memory_space<hbm>>) dst(%arg15 : memref<128x128xf32, #tpu.memory_space<vmem>>)
      tpu.yield
    }) : () -> ()
    %add3A_33 = arith.constant 384 : i32
    %add3A_34 = arith.addi %mul3A_2, %add3A_33 : i32
    "tpu.region"() ({
      %run_scoped3A_46 = tpu.sem_alloc : memref<!tpu.dma_semaphore, #tpu.memory_space<semaphore_mem>>
      %dma_start3A = arith.constant 0 : i32
      %dma_start3A_47 = tpu.memref_slice %arg10[%add3A_34, %dma_start3A] : memref<16384x128xf32, #tpu.memory_space<hbm>> -> memref<128x128xf32, #tpu.memory_space<hbm>>
      %dma_start3A_48 = arith.constant 0 : i32
      %dma_start3A_49 = tpu.memref_slice %arg10[%add3A_34, %dma_start3A_48] : memref<16384x128xf32, #tpu.memory_space<hbm>> -> memref<128x128xf32, #tpu.memory_space<hbm>>
      tpu.enqueue_dma source(%arg15 : memref<128x128xf32, #tpu.memory_space<vmem>>) target(%dma_start3A_49 : memref<128x128xf32, #tpu.memory_space<hbm>>) target_semaphore(%run_scoped3A_46 : memref<!tpu.dma_semaphore, #tpu.memory_space<semaphore_mem>>)
      %dma_wait3A = arith.constant 0 : i32
      %dma_wait3A_50 = tpu.memref_slice %arg10[%add3A_34, %dma_wait3A] : memref<16384x128xf32, #tpu.memory_space<hbm>> -> memref<128x128xf32, #tpu.memory_space<hbm>>
      %dma_wait3A_51 = arith.constant 0 : i32
      %dma_wait3A_52 = tpu.memref_slice %arg10[%add3A_34, %dma_wait3A_51] : memref<16384x128xf32, #tpu.memory_space<hbm>> -> memref<128x128xf32, #tpu.memory_space<hbm>>
      tpu.wait_dma2 semaphore(%run_scoped3A_46 : memref<!tpu.dma_semaphore, #tpu.memory_space<semaphore_mem>>) src(%arg15 : memref<128x128xf32, #tpu.memory_space<vmem>>) dst(%dma_wait3A_52 : memref<128x128xf32, #tpu.memory_space<hbm>>)
      tpu.yield
    }) : () -> ()
    %barrier3A_35 = arith.constant 0 : index
    tpu.barrier barrier_id(%barrier3A_35)
    %eq3A_36 = arith.constant 0 : i32
    %eq3A_37 = arith.cmpi eq, %arg0, %eq3A_36 : i32
    %convert_element_type3A_38 = arith.extui %eq3A_37 : i1 to i32
    %cond3A_39 = arith.constant 0 : i32
    %cond3A_40 = arith.cmpi ne, %convert_element_type3A_38, %cond3A_39 : i32
    scf.if %cond3A_40 {
      %add3A_46 = arith.constant 0 : i32
      %add3A_47 = arith.addi %mul3A_4, %add3A_46 : i32
      "tpu.region"() ({
        %run_scoped3A_50 = tpu.sem_alloc : memref<!tpu.dma_semaphore, #tpu.memory_space<semaphore_mem>>
        %dma_start3A = arith.constant 0 : i32
        %dma_start3A_51 = tpu.memref_slice %arg11[%add3A_47, %dma_start3A] : memref<16384x32xf32, #tpu.memory_space<vmem_shared>> -> memref<512x32xf32, #tpu.memory_space<vmem_shared>>
        %dma_start3A_52 = arith.constant 0 : i32
        %dma_start3A_53 = tpu.memref_slice %arg11[%add3A_47, %dma_start3A_52] : memref<16384x32xf32, #tpu.memory_space<vmem_shared>> -> memref<512x32xf32, #tpu.memory_space<vmem_shared>>
        tpu.enqueue_dma source(%dma_start3A_53 : memref<512x32xf32, #tpu.memory_space<vmem_shared>>) target(%arg14 : memref<512x32xf32, #tpu.memory_space<vmem>>) target_semaphore(%run_scoped3A_50 : memref<!tpu.dma_semaphore, #tpu.memory_space<semaphore_mem>>)
        %dma_wait3A = arith.constant 0 : i32
        %dma_wait3A_54 = tpu.memref_slice %arg11[%add3A_47, %dma_wait3A] : memref<16384x32xf32, #tpu.memory_space<vmem_shared>> -> memref<512x32xf32, #tpu.memory_space<vmem_shared>>
        %dma_wait3A_55 = arith.constant 0 : i32
        %dma_wait3A_56 = tpu.memref_slice %arg11[%add3A_47, %dma_wait3A_55] : memref<16384x32xf32, #tpu.memory_space<vmem_shared>> -> memref<512x32xf32, #tpu.memory_space<vmem_shared>>
        tpu.wait_dma2 semaphore(%run_scoped3A_50 : memref<!tpu.dma_semaphore, #tpu.memory_space<semaphore_mem>>) src(%dma_wait3A_56 : memref<512x32xf32, #tpu.memory_space<vmem_shared>>) dst(%arg14 : memref<512x32xf32, #tpu.memory_space<vmem>>)
        tpu.yield
      }) : () -> ()
      "tpu.region"() ({
        %run_scoped3A_50 = tpu.sem_alloc : memref<!tpu.dma_semaphore, #tpu.memory_space<semaphore_mem>>
        %dma_start3A = arith.constant 0 : i32
        %dma_start3A_51 = tpu.memref_slice %arg8[%add3A_47, %dma_start3A] : memref<16384x32xf32, #tpu.memory_space<hbm>> -> memref<512x32xf32, #tpu.memory_space<hbm>>
        %dma_start3A_52 = arith.constant 0 : i32
        %dma_start3A_53 = tpu.memref_slice %arg8[%add3A_47, %dma_start3A_52] : memref<16384x32xf32, #tpu.memory_space<hbm>> -> memref<512x32xf32, #tpu.memory_space<hbm>>
        tpu.enqueue_dma source(%arg14 : memref<512x32xf32, #tpu.memory_space<vmem>>) target(%dma_start3A_53 : memref<512x32xf32, #tpu.memory_space<hbm>>) target_semaphore(%run_scoped3A_50 : memref<!tpu.dma_semaphore, #tpu.memory_space<semaphore_mem>>)
        %dma_wait3A = arith.constant 0 : i32
        %dma_wait3A_54 = tpu.memref_slice %arg8[%add3A_47, %dma_wait3A] : memref<16384x32xf32, #tpu.memory_space<hbm>> -> memref<512x32xf32, #tpu.memory_space<hbm>>
        %dma_wait3A_55 = arith.constant 0 : i32
        %dma_wait3A_56 = tpu.memref_slice %arg8[%add3A_47, %dma_wait3A_55] : memref<16384x32xf32, #tpu.memory_space<hbm>> -> memref<512x32xf32, #tpu.memory_space<hbm>>
        tpu.wait_dma2 semaphore(%run_scoped3A_50 : memref<!tpu.dma_semaphore, #tpu.memory_space<semaphore_mem>>) src(%arg14 : memref<512x32xf32, #tpu.memory_space<vmem>>) dst(%dma_wait3A_56 : memref<512x32xf32, #tpu.memory_space<hbm>>)
        tpu.yield
      }) : () -> ()
      %add3A_48 = arith.constant 512 : i32
      %add3A_49 = arith.addi %mul3A_4, %add3A_48 : i32
      "tpu.region"() ({
        %run_scoped3A_50 = tpu.sem_alloc : memref<!tpu.dma_semaphore, #tpu.memory_space<semaphore_mem>>
        %dma_start3A = arith.constant 0 : i32
        %dma_start3A_51 = tpu.memref_slice %arg11[%add3A_49, %dma_start3A] : memref<16384x32xf32, #tpu.memory_space<vmem_shared>> -> memref<512x32xf32, #tpu.memory_space<vmem_shared>>
        %dma_start3A_52 = arith.constant 0 : i32
        %dma_start3A_53 = tpu.memref_slice %arg11[%add3A_49, %dma_start3A_52] : memref<16384x32xf32, #tpu.memory_space<vmem_shared>> -> memref<512x32xf32, #tpu.memory_space<vmem_shared>>
        tpu.enqueue_dma source(%dma_start3A_53 : memref<512x32xf32, #tpu.memory_space<vmem_shared>>) target(%arg14 : memref<512x32xf32, #tpu.memory_space<vmem>>) target_semaphore(%run_scoped3A_50 : memref<!tpu.dma_semaphore, #tpu.memory_space<semaphore_mem>>)
        %dma_wait3A = arith.constant 0 : i32
        %dma_wait3A_54 = tpu.memref_slice %arg11[%add3A_49, %dma_wait3A] : memref<16384x32xf32, #tpu.memory_space<vmem_shared>> -> memref<512x32xf32, #tpu.memory_space<vmem_shared>>
        %dma_wait3A_55 = arith.constant 0 : i32
        %dma_wait3A_56 = tpu.memref_slice %arg11[%add3A_49, %dma_wait3A_55] : memref<16384x32xf32, #tpu.memory_space<vmem_shared>> -> memref<512x32xf32, #tpu.memory_space<vmem_shared>>
        tpu.wait_dma2 semaphore(%run_scoped3A_50 : memref<!tpu.dma_semaphore, #tpu.memory_space<semaphore_mem>>) src(%dma_wait3A_56 : memref<512x32xf32, #tpu.memory_space<vmem_shared>>) dst(%arg14 : memref<512x32xf32, #tpu.memory_space<vmem>>)
        tpu.yield
      }) : () -> ()
      "tpu.region"() ({
        %run_scoped3A_50 = tpu.sem_alloc : memref<!tpu.dma_semaphore, #tpu.memory_space<semaphore_mem>>
        %dma_start3A = arith.constant 0 : i32
        %dma_start3A_51 = tpu.memref_slice %arg8[%add3A_49, %dma_start3A] : memref<16384x32xf32, #tpu.memory_space<hbm>> -> memref<512x32xf32, #tpu.memory_space<hbm>>
        %dma_start3A_52 = arith.constant 0 : i32
        %dma_start3A_53 = tpu.memref_slice %arg8[%add3A_49, %dma_start3A_52] : memref<16384x32xf32, #tpu.memory_space<hbm>> -> memref<512x32xf32, #tpu.memory_space<hbm>>
        tpu.enqueue_dma source(%arg14 : memref<512x32xf32, #tpu.memory_space<vmem>>) target(%dma_start3A_53 : memref<512x32xf32, #tpu.memory_space<hbm>>) target_semaphore(%run_scoped3A_50 : memref<!tpu.dma_semaphore, #tpu.memory_space<semaphore_mem>>)
        %dma_wait3A = arith.constant 0 : i32
        %dma_wait3A_54 = tpu.memref_slice %arg8[%add3A_49, %dma_wait3A] : memref<16384x32xf32, #tpu.memory_space<hbm>> -> memref<512x32xf32, #tpu.memory_space<hbm>>
        %dma_wait3A_55 = arith.constant 0 : i32
        %dma_wait3A_56 = tpu.memref_slice %arg8[%add3A_49, %dma_wait3A_55] : memref<16384x32xf32, #tpu.memory_space<hbm>> -> memref<512x32xf32, #tpu.memory_space<hbm>>
        tpu.wait_dma2 semaphore(%run_scoped3A_50 : memref<!tpu.dma_semaphore, #tpu.memory_space<semaphore_mem>>) src(%arg14 : memref<512x32xf32, #tpu.memory_space<vmem>>) dst(%dma_wait3A_56 : memref<512x32xf32, #tpu.memory_space<hbm>>)
        tpu.yield
      }) : () -> ()
    } else {
    }
    %eq3A_41 = arith.constant 1 : i32
    %eq3A_42 = arith.cmpi eq, %arg0, %eq3A_41 : i32
    %convert_element_type3A_43 = arith.extui %eq3A_42 : i1 to i32
    %cond3A_44 = arith.constant 0 : i32
    %cond3A_45 = arith.cmpi ne, %convert_element_type3A_43, %cond3A_44 : i32
    scf.if %cond3A_45 {
      %add3A_46 = arith.constant 0 : i32
      %add3A_47 = arith.addi %mul3A_4, %add3A_46 : i32
      "tpu.region"() ({
        %run_scoped3A_50 = tpu.sem_alloc : memref<!tpu.dma_semaphore, #tpu.memory_space<semaphore_mem>>
        %dma_start3A = arith.constant 0 : i32
        %dma_start3A_51 = tpu.memref_slice %arg11[%add3A_47, %dma_start3A] : memref<16384x32xf32, #tpu.memory_space<vmem_shared>> -> memref<512x32xf32, #tpu.memory_space<vmem_shared>>
        %dma_start3A_52 = arith.constant 0 : i32
        %dma_start3A_53 = tpu.memref_slice %arg11[%add3A_47, %dma_start3A_52] : memref<16384x32xf32, #tpu.memory_space<vmem_shared>> -> memref<512x32xf32, #tpu.memory_space<vmem_shared>>
        tpu.enqueue_dma source(%dma_start3A_53 : memref<512x32xf32, #tpu.memory_space<vmem_shared>>) target(%arg14 : memref<512x32xf32, #tpu.memory_space<vmem>>) target_semaphore(%run_scoped3A_50 : memref<!tpu.dma_semaphore, #tpu.memory_space<semaphore_mem>>)
        %dma_wait3A = arith.constant 0 : i32
        %dma_wait3A_54 = tpu.memref_slice %arg11[%add3A_47, %dma_wait3A] : memref<16384x32xf32, #tpu.memory_space<vmem_shared>> -> memref<512x32xf32, #tpu.memory_space<vmem_shared>>
        %dma_wait3A_55 = arith.constant 0 : i32
        %dma_wait3A_56 = tpu.memref_slice %arg11[%add3A_47, %dma_wait3A_55] : memref<16384x32xf32, #tpu.memory_space<vmem_shared>> -> memref<512x32xf32, #tpu.memory_space<vmem_shared>>
        tpu.wait_dma2 semaphore(%run_scoped3A_50 : memref<!tpu.dma_semaphore, #tpu.memory_space<semaphore_mem>>) src(%dma_wait3A_56 : memref<512x32xf32, #tpu.memory_space<vmem_shared>>) dst(%arg14 : memref<512x32xf32, #tpu.memory_space<vmem>>)
        tpu.yield
      }) : () -> ()
      "tpu.region"() ({
        %run_scoped3A_50 = tpu.sem_alloc : memref<!tpu.dma_semaphore, #tpu.memory_space<semaphore_mem>>
        %dma_start3A = arith.constant 0 : i32
        %dma_start3A_51 = tpu.memref_slice %arg9[%add3A_47, %dma_start3A] : memref<16384x32xf32, #tpu.memory_space<hbm>> -> memref<512x32xf32, #tpu.memory_space<hbm>>
        %dma_start3A_52 = arith.constant 0 : i32
        %dma_start3A_53 = tpu.memref_slice %arg9[%add3A_47, %dma_start3A_52] : memref<16384x32xf32, #tpu.memory_space<hbm>> -> memref<512x32xf32, #tpu.memory_space<hbm>>
        tpu.enqueue_dma source(%arg14 : memref<512x32xf32, #tpu.memory_space<vmem>>) target(%dma_start3A_53 : memref<512x32xf32, #tpu.memory_space<hbm>>) target_semaphore(%run_scoped3A_50 : memref<!tpu.dma_semaphore, #tpu.memory_space<semaphore_mem>>)
        %dma_wait3A = arith.constant 0 : i32
        %dma_wait3A_54 = tpu.memref_slice %arg9[%add3A_47, %dma_wait3A] : memref<16384x32xf32, #tpu.memory_space<hbm>> -> memref<512x32xf32, #tpu.memory_space<hbm>>
        %dma_wait3A_55 = arith.constant 0 : i32
        %dma_wait3A_56 = tpu.memref_slice %arg9[%add3A_47, %dma_wait3A_55] : memref<16384x32xf32, #tpu.memory_space<hbm>> -> memref<512x32xf32, #tpu.memory_space<hbm>>
        tpu.wait_dma2 semaphore(%run_scoped3A_50 : memref<!tpu.dma_semaphore, #tpu.memory_space<semaphore_mem>>) src(%arg14 : memref<512x32xf32, #tpu.memory_space<vmem>>) dst(%dma_wait3A_56 : memref<512x32xf32, #tpu.memory_space<hbm>>)
        tpu.yield
      }) : () -> ()
      %add3A_48 = arith.constant 512 : i32
      %add3A_49 = arith.addi %mul3A_4, %add3A_48 : i32
      "tpu.region"() ({
        %run_scoped3A_50 = tpu.sem_alloc : memref<!tpu.dma_semaphore, #tpu.memory_space<semaphore_mem>>
        %dma_start3A = arith.constant 0 : i32
        %dma_start3A_51 = tpu.memref_slice %arg11[%add3A_49, %dma_start3A] : memref<16384x32xf32, #tpu.memory_space<vmem_shared>> -> memref<512x32xf32, #tpu.memory_space<vmem_shared>>
        %dma_start3A_52 = arith.constant 0 : i32
        %dma_start3A_53 = tpu.memref_slice %arg11[%add3A_49, %dma_start3A_52] : memref<16384x32xf32, #tpu.memory_space<vmem_shared>> -> memref<512x32xf32, #tpu.memory_space<vmem_shared>>
        tpu.enqueue_dma source(%dma_start3A_53 : memref<512x32xf32, #tpu.memory_space<vmem_shared>>) target(%arg14 : memref<512x32xf32, #tpu.memory_space<vmem>>) target_semaphore(%run_scoped3A_50 : memref<!tpu.dma_semaphore, #tpu.memory_space<semaphore_mem>>)
        %dma_wait3A = arith.constant 0 : i32
        %dma_wait3A_54 = tpu.memref_slice %arg11[%add3A_49, %dma_wait3A] : memref<16384x32xf32, #tpu.memory_space<vmem_shared>> -> memref<512x32xf32, #tpu.memory_space<vmem_shared>>
        %dma_wait3A_55 = arith.constant 0 : i32
        %dma_wait3A_56 = tpu.memref_slice %arg11[%add3A_49, %dma_wait3A_55] : memref<16384x32xf32, #tpu.memory_space<vmem_shared>> -> memref<512x32xf32, #tpu.memory_space<vmem_shared>>
        tpu.wait_dma2 semaphore(%run_scoped3A_50 : memref<!tpu.dma_semaphore, #tpu.memory_space<semaphore_mem>>) src(%dma_wait3A_56 : memref<512x32xf32, #tpu.memory_space<vmem_shared>>) dst(%arg14 : memref<512x32xf32, #tpu.memory_space<vmem>>)
        tpu.yield
      }) : () -> ()
      "tpu.region"() ({
        %run_scoped3A_50 = tpu.sem_alloc : memref<!tpu.dma_semaphore, #tpu.memory_space<semaphore_mem>>
        %dma_start3A = arith.constant 0 : i32
        %dma_start3A_51 = tpu.memref_slice %arg9[%add3A_49, %dma_start3A] : memref<16384x32xf32, #tpu.memory_space<hbm>> -> memref<512x32xf32, #tpu.memory_space<hbm>>
        %dma_start3A_52 = arith.constant 0 : i32
        %dma_start3A_53 = tpu.memref_slice %arg9[%add3A_49, %dma_start3A_52] : memref<16384x32xf32, #tpu.memory_space<hbm>> -> memref<512x32xf32, #tpu.memory_space<hbm>>
        tpu.enqueue_dma source(%arg14 : memref<512x32xf32, #tpu.memory_space<vmem>>) target(%dma_start3A_53 : memref<512x32xf32, #tpu.memory_space<hbm>>) target_semaphore(%run_scoped3A_50 : memref<!tpu.dma_semaphore, #tpu.memory_space<semaphore_mem>>)
        %dma_wait3A = arith.constant 0 : i32
        %dma_wait3A_54 = tpu.memref_slice %arg9[%add3A_49, %dma_wait3A] : memref<16384x32xf32, #tpu.memory_space<hbm>> -> memref<512x32xf32, #tpu.memory_space<hbm>>
        %dma_wait3A_55 = arith.constant 0 : i32
        %dma_wait3A_56 = tpu.memref_slice %arg9[%add3A_49, %dma_wait3A_55] : memref<16384x32xf32, #tpu.memory_space<hbm>> -> memref<512x32xf32, #tpu.memory_space<hbm>>
        tpu.wait_dma2 semaphore(%run_scoped3A_50 : memref<!tpu.dma_semaphore, #tpu.memory_space<semaphore_mem>>) src(%arg14 : memref<512x32xf32, #tpu.memory_space<vmem>>) dst(%dma_wait3A_56 : memref<512x32xf32, #tpu.memory_space<hbm>>)
        tpu.yield
      }) : () -> ()
    } else {
    }
    return
  }
}

#map = affine_map<(d0, d1) -> (0, 0)>
#map1 = affine_map<(d0, d1) -> (0)>
module attributes {stable_mosaic.version = 14 : i64} {
  func.func @_sc_a_body(%arg0: i32, %arg1: i32, %arg2: memref<128x128xi32, #tpu.memory_space<hbm>>, %arg3: memref<128x128xi32, #tpu.memory_space<hbm>>, %arg4: memref<512x16xf32, #tpu.memory_space<hbm>>, %arg5: memref<128x16xf32, #tpu.memory_space<hbm>>, %arg6: memref<100000xi32, #tpu.memory_space<hbm>>, %arg7: memref<128x128xi32, #tpu.memory_space<hbm>>, %arg8: memref<16384x16xf32, #tpu.memory_space<hbm>>, %arg9: memref<16384x16xf32, #tpu.memory_space<vmem_shared>>, %arg10: memref<8x128xi32, #tpu.memory_space<vmem>>, %arg11: memref<8x128xi32, #tpu.memory_space<vmem>>, %arg12: memref<8x128xi32, #tpu.memory_space<vmem>>, %arg13: memref<512x16xf32, #tpu.memory_space<vmem>>, %arg14: memref<128x16xf32, #tpu.memory_space<vmem>>, %arg15: memref<!tpu.dma_semaphore, #tpu.memory_space<semaphore_mem>>) attributes {dimension_semantics = [#tpu.dimension_semantics<core_parallel>, #tpu.dimension_semantics<subcore_parallel>], iteration_bounds = array<i64: 1, 16>, scalar_prefetch = 0 : i64, scratch_operands = 7 : i64, tpu.core_type = #tpu.core_type<sc_vector_subcore>, window_params = [{transform_indices = #map}, {transform_indices = #map}, {transform_indices = #map}, {transform_indices = #map}, {transform_indices = #map1}, {transform_indices = #map}, {transform_indices = #map}]} {
    %mul3A = arith.constant 1024 : i32
    %mul3A_0 = arith.muli %arg1, %mul3A : i32
    %mul3A_1 = arith.constant 8 : i32
    %mul3A_2 = arith.muli %arg1, %mul3A_1 : i32
    "tpu.region"() ({
      %run_scoped3A_54 = tpu.sem_alloc : memref<!tpu.dma_semaphore, #tpu.memory_space<semaphore_mem>>
      %dma_start3A = arith.constant 0 : i32
      %dma_start3A_55 = tpu.memref_slice %arg2[%mul3A_2, %dma_start3A] : memref<128x128xi32, #tpu.memory_space<hbm>> -> memref<8x128xi32, #tpu.memory_space<hbm>>
      %dma_start3A_56 = arith.constant 0 : i32
      %dma_start3A_57 = tpu.memref_slice %arg2[%mul3A_2, %dma_start3A_56] : memref<128x128xi32, #tpu.memory_space<hbm>> -> memref<8x128xi32, #tpu.memory_space<hbm>>
      tpu.enqueue_dma source(%dma_start3A_57 : memref<8x128xi32, #tpu.memory_space<hbm>>) target(%arg10 : memref<8x128xi32, #tpu.memory_space<vmem>>) target_semaphore(%run_scoped3A_54 : memref<!tpu.dma_semaphore, #tpu.memory_space<semaphore_mem>>)
      %dma_wait3A = arith.constant 0 : i32
      %dma_wait3A_58 = tpu.memref_slice %arg2[%mul3A_2, %dma_wait3A] : memref<128x128xi32, #tpu.memory_space<hbm>> -> memref<8x128xi32, #tpu.memory_space<hbm>>
      %dma_wait3A_59 = arith.constant 0 : i32
      %dma_wait3A_60 = tpu.memref_slice %arg2[%mul3A_2, %dma_wait3A_59] : memref<128x128xi32, #tpu.memory_space<hbm>> -> memref<8x128xi32, #tpu.memory_space<hbm>>
      tpu.wait_dma2 semaphore(%run_scoped3A_54 : memref<!tpu.dma_semaphore, #tpu.memory_space<semaphore_mem>>) src(%dma_wait3A_60 : memref<8x128xi32, #tpu.memory_space<hbm>>) dst(%arg10 : memref<8x128xi32, #tpu.memory_space<vmem>>)
      tpu.yield
    }) : () -> ()
    %mul3A_3 = arith.constant 8 : i32
    %mul3A_4 = arith.muli %arg1, %mul3A_3 : i32
    "tpu.region"() ({
      %run_scoped3A_54 = tpu.sem_alloc : memref<!tpu.dma_semaphore, #tpu.memory_space<semaphore_mem>>
      %dma_start3A = arith.constant 0 : i32
      %dma_start3A_55 = tpu.memref_slice %arg3[%mul3A_4, %dma_start3A] : memref<128x128xi32, #tpu.memory_space<hbm>> -> memref<8x128xi32, #tpu.memory_space<hbm>>
      %dma_start3A_56 = arith.constant 0 : i32
      %dma_start3A_57 = tpu.memref_slice %arg3[%mul3A_4, %dma_start3A_56] : memref<128x128xi32, #tpu.memory_space<hbm>> -> memref<8x128xi32, #tpu.memory_space<hbm>>
      tpu.enqueue_dma source(%dma_start3A_57 : memref<8x128xi32, #tpu.memory_space<hbm>>) target(%arg11 : memref<8x128xi32, #tpu.memory_space<vmem>>) target_semaphore(%run_scoped3A_54 : memref<!tpu.dma_semaphore, #tpu.memory_space<semaphore_mem>>)
      %dma_wait3A = arith.constant 0 : i32
      %dma_wait3A_58 = tpu.memref_slice %arg3[%mul3A_4, %dma_wait3A] : memref<128x128xi32, #tpu.memory_space<hbm>> -> memref<8x128xi32, #tpu.memory_space<hbm>>
      %dma_wait3A_59 = arith.constant 0 : i32
      %dma_wait3A_60 = tpu.memref_slice %arg3[%mul3A_4, %dma_wait3A_59] : memref<128x128xi32, #tpu.memory_space<hbm>> -> memref<8x128xi32, #tpu.memory_space<hbm>>
      tpu.wait_dma2 semaphore(%run_scoped3A_54 : memref<!tpu.dma_semaphore, #tpu.memory_space<semaphore_mem>>) src(%dma_wait3A_60 : memref<8x128xi32, #tpu.memory_space<hbm>>) dst(%arg11 : memref<8x128xi32, #tpu.memory_space<vmem>>)
      tpu.yield
    }) : () -> ()
    "tpu.region"() ({
      %run_scoped3A_54 = tpu.sem_alloc : memref<!tpu.dma_semaphore, #tpu.memory_space<semaphore_mem>>
      tpu.enqueue_dma source(%arg5 : memref<128x16xf32, #tpu.memory_space<hbm>>) target(%arg14 : memref<128x16xf32, #tpu.memory_space<vmem>>) target_semaphore(%run_scoped3A_54 : memref<!tpu.dma_semaphore, #tpu.memory_space<semaphore_mem>>)
      tpu.wait_dma2 semaphore(%run_scoped3A_54 : memref<!tpu.dma_semaphore, #tpu.memory_space<semaphore_mem>>) src(%arg5 : memref<128x16xf32, #tpu.memory_space<hbm>>) dst(%arg14 : memref<128x16xf32, #tpu.memory_space<vmem>>)
      tpu.yield
    }) : () -> ()
    "tpu.region"() ({
      %run_scoped3A_54 = tpu.sem_alloc : memref<!tpu.dma_semaphore, #tpu.memory_space<semaphore_mem>>
      tpu.enqueue_dma source(%arg4 : memref<512x16xf32, #tpu.memory_space<hbm>>) target(%arg13 : memref<512x16xf32, #tpu.memory_space<vmem>>) target_semaphore(%run_scoped3A_54 : memref<!tpu.dma_semaphore, #tpu.memory_space<semaphore_mem>>)
      tpu.wait_dma2 semaphore(%run_scoped3A_54 : memref<!tpu.dma_semaphore, #tpu.memory_space<semaphore_mem>>) src(%arg4 : memref<512x16xf32, #tpu.memory_space<hbm>>) dst(%arg13 : memref<512x16xf32, #tpu.memory_space<vmem>>)
      tpu.yield
    }) : () -> ()
    %add3A = arith.constant 0 : i32
    %add3A_5 = arith.addi %mul3A_0, %add3A : i32
    "tpu.region"() ({
      %run_scoped3A_54 = tpu.sem_alloc : memref<!tpu.dma_semaphore, #tpu.memory_space<semaphore_mem>>
      %dma_start3A = arith.constant 0 : i32
      %dma_start3A_55 = tpu.memref_slice %arg9[%add3A_5, %dma_start3A] : memref<16384x16xf32, #tpu.memory_space<vmem_shared>> -> memref<512x16xf32, #tpu.memory_space<vmem_shared>>
      %dma_start3A_56 = arith.constant 0 : i32
      %dma_start3A_57 = tpu.memref_slice %arg9[%add3A_5, %dma_start3A_56] : memref<16384x16xf32, #tpu.memory_space<vmem_shared>> -> memref<512x16xf32, #tpu.memory_space<vmem_shared>>
      tpu.enqueue_dma source(%arg13 : memref<512x16xf32, #tpu.memory_space<vmem>>) target(%dma_start3A_57 : memref<512x16xf32, #tpu.memory_space<vmem_shared>>) target_semaphore(%run_scoped3A_54 : memref<!tpu.dma_semaphore, #tpu.memory_space<semaphore_mem>>)
      %dma_wait3A = arith.constant 0 : i32
      %dma_wait3A_58 = tpu.memref_slice %arg9[%add3A_5, %dma_wait3A] : memref<16384x16xf32, #tpu.memory_space<vmem_shared>> -> memref<512x16xf32, #tpu.memory_space<vmem_shared>>
      %dma_wait3A_59 = arith.constant 0 : i32
      %dma_wait3A_60 = tpu.memref_slice %arg9[%add3A_5, %dma_wait3A_59] : memref<16384x16xf32, #tpu.memory_space<vmem_shared>> -> memref<512x16xf32, #tpu.memory_space<vmem_shared>>
      tpu.wait_dma2 semaphore(%run_scoped3A_54 : memref<!tpu.dma_semaphore, #tpu.memory_space<semaphore_mem>>) src(%arg13 : memref<512x16xf32, #tpu.memory_space<vmem>>) dst(%dma_wait3A_60 : memref<512x16xf32, #tpu.memory_space<vmem_shared>>)
      tpu.yield
    }) : () -> ()
    %add3A_6 = arith.constant 512 : i32
    %add3A_7 = arith.addi %mul3A_0, %add3A_6 : i32
    "tpu.region"() ({
      %run_scoped3A_54 = tpu.sem_alloc : memref<!tpu.dma_semaphore, #tpu.memory_space<semaphore_mem>>
      %dma_start3A = arith.constant 0 : i32
      %dma_start3A_55 = tpu.memref_slice %arg9[%add3A_7, %dma_start3A] : memref<16384x16xf32, #tpu.memory_space<vmem_shared>> -> memref<512x16xf32, #tpu.memory_space<vmem_shared>>
      %dma_start3A_56 = arith.constant 0 : i32
      %dma_start3A_57 = tpu.memref_slice %arg9[%add3A_7, %dma_start3A_56] : memref<16384x16xf32, #tpu.memory_space<vmem_shared>> -> memref<512x16xf32, #tpu.memory_space<vmem_shared>>
      tpu.enqueue_dma source(%arg13 : memref<512x16xf32, #tpu.memory_space<vmem>>) target(%dma_start3A_57 : memref<512x16xf32, #tpu.memory_space<vmem_shared>>) target_semaphore(%run_scoped3A_54 : memref<!tpu.dma_semaphore, #tpu.memory_space<semaphore_mem>>)
      %dma_wait3A = arith.constant 0 : i32
      %dma_wait3A_58 = tpu.memref_slice %arg9[%add3A_7, %dma_wait3A] : memref<16384x16xf32, #tpu.memory_space<vmem_shared>> -> memref<512x16xf32, #tpu.memory_space<vmem_shared>>
      %dma_wait3A_59 = arith.constant 0 : i32
      %dma_wait3A_60 = tpu.memref_slice %arg9[%add3A_7, %dma_wait3A_59] : memref<16384x16xf32, #tpu.memory_space<vmem_shared>> -> memref<512x16xf32, #tpu.memory_space<vmem_shared>>
      tpu.wait_dma2 semaphore(%run_scoped3A_54 : memref<!tpu.dma_semaphore, #tpu.memory_space<semaphore_mem>>) src(%arg13 : memref<512x16xf32, #tpu.memory_space<vmem>>) dst(%dma_wait3A_60 : memref<512x16xf32, #tpu.memory_space<vmem_shared>>)
      tpu.yield
    }) : () -> ()
    %run_scoped3A = arith.constant 0 : i32
    %run_scoped3A_8 = arith.constant 0 : i32
    "tpu.region"() ({
      %run_scoped3A_54 = tpu.sem_alloc : memref<!tpu.dma_semaphore, #tpu.memory_space<semaphore_mem>>
      %dma_start3A = arith.constant 0 : i32
      %dma_start3A_55 = tpu.memref_slice %arg11[%run_scoped3A, %dma_start3A] : memref<8x128xi32, #tpu.memory_space<vmem>> -> memref<1x128xi32, #tpu.memory_space<vmem>>
      %dma_start3A_56 = tpu.memref_squeeze %dma_start3A_55 : memref<1x128xi32, #tpu.memory_space<vmem>> -> memref<128xi32, #tpu.memory_space<vmem>>
      %dma_start3A_57 = arith.constant 0 : i32
      %dma_start3A_58 = tpu.memref_slice %arg10[%run_scoped3A_8, %dma_start3A_57] : memref<8x128xi32, #tpu.memory_space<vmem>> -> memref<1x128xi32, #tpu.memory_space<vmem>>
      %dma_start3A_59 = tpu.memref_squeeze %dma_start3A_58 : memref<1x128xi32, #tpu.memory_space<vmem>> -> memref<128xi32, #tpu.memory_space<vmem>>
      %dma_start3A_60 = arith.constant 0 : i32
      %dma_start3A_61 = tpu.memref_slice %arg6[%dma_start3A_60] : memref<100000xi32, #tpu.memory_space<hbm>> -> memref<100000xi32, #tpu.memory_space<hbm>>
      tpu.enqueue_indirect_dma source(%dma_start3A_56 : memref<128xi32, #tpu.memory_space<vmem>>) target(%dma_start3A_61 : memref<100000xi32, #tpu.memory_space<hbm>>) offsets(%dma_start3A_59 : memref<128xi32, #tpu.memory_space<vmem>>) semaphore(%run_scoped3A_54 : memref<!tpu.dma_semaphore, #tpu.memory_space<semaphore_mem>>)
      %dma_wait3A = arith.constant 0 : i32
      %dma_wait3A_62 = tpu.memref_slice %arg11[%run_scoped3A, %dma_wait3A] : memref<8x128xi32, #tpu.memory_space<vmem>> -> memref<1x128xi32, #tpu.memory_space<vmem>>
      %dma_wait3A_63 = tpu.memref_squeeze %dma_wait3A_62 : memref<1x128xi32, #tpu.memory_space<vmem>> -> memref<128xi32, #tpu.memory_space<vmem>>
      %dma_wait3A_64 = arith.constant 0 : i32
      %dma_wait3A_65 = tpu.memref_slice %arg10[%run_scoped3A_8, %dma_wait3A_64] : memref<8x128xi32, #tpu.memory_space<vmem>> -> memref<1x128xi32, #tpu.memory_space<vmem>>
      %dma_wait3A_66 = tpu.memref_squeeze %dma_wait3A_65 : memref<1x128xi32, #tpu.memory_space<vmem>> -> memref<128xi32, #tpu.memory_space<vmem>>
      %dma_wait3A_67 = arith.constant 0 : i32
      %dma_wait3A_68 = tpu.memref_slice %arg6[%dma_wait3A_67] : memref<100000xi32, #tpu.memory_space<hbm>> -> memref<100000xi32, #tpu.memory_space<hbm>>
      tpu.wait_indirect_dma semaphore(%run_scoped3A_54 : memref<!tpu.dma_semaphore, #tpu.memory_space<semaphore_mem>>) src(%dma_wait3A_63 : memref<128xi32, #tpu.memory_space<vmem>>) dst(%dma_wait3A_68 : memref<100000xi32, #tpu.memory_space<hbm>>)
      tpu.yield
    }) : () -> ()
    %run_scoped3A_9 = arith.constant 1 : i32
    %run_scoped3A_10 = arith.constant 1 : i32
    "tpu.region"() ({
      %run_scoped3A_54 = tpu.sem_alloc : memref<!tpu.dma_semaphore, #tpu.memory_space<semaphore_mem>>
      %dma_start3A = arith.constant 0 : i32
      %dma_start3A_55 = tpu.memref_slice %arg11[%run_scoped3A_9, %dma_start3A] : memref<8x128xi32, #tpu.memory_space<vmem>> -> memref<1x128xi32, #tpu.memory_space<vmem>>
      %dma_start3A_56 = tpu.memref_squeeze %dma_start3A_55 : memref<1x128xi32, #tpu.memory_space<vmem>> -> memref<128xi32, #tpu.memory_space<vmem>>
      %dma_start3A_57 = arith.constant 0 : i32
      %dma_start3A_58 = tpu.memref_slice %arg10[%run_scoped3A_10, %dma_start3A_57] : memref<8x128xi32, #tpu.memory_space<vmem>> -> memref<1x128xi32, #tpu.memory_space<vmem>>
      %dma_start3A_59 = tpu.memref_squeeze %dma_start3A_58 : memref<1x128xi32, #tpu.memory_space<vmem>> -> memref<128xi32, #tpu.memory_space<vmem>>
      %dma_start3A_60 = arith.constant 0 : i32
      %dma_start3A_61 = tpu.memref_slice %arg6[%dma_start3A_60] : memref<100000xi32, #tpu.memory_space<hbm>> -> memref<100000xi32, #tpu.memory_space<hbm>>
      tpu.enqueue_indirect_dma source(%dma_start3A_56 : memref<128xi32, #tpu.memory_space<vmem>>) target(%dma_start3A_61 : memref<100000xi32, #tpu.memory_space<hbm>>) offsets(%dma_start3A_59 : memref<128xi32, #tpu.memory_space<vmem>>) semaphore(%run_scoped3A_54 : memref<!tpu.dma_semaphore, #tpu.memory_space<semaphore_mem>>)
      %dma_wait3A = arith.constant 0 : i32
      %dma_wait3A_62 = tpu.memref_slice %arg11[%run_scoped3A_9, %dma_wait3A] : memref<8x128xi32, #tpu.memory_space<vmem>> -> memref<1x128xi32, #tpu.memory_space<vmem>>
      %dma_wait3A_63 = tpu.memref_squeeze %dma_wait3A_62 : memref<1x128xi32, #tpu.memory_space<vmem>> -> memref<128xi32, #tpu.memory_space<vmem>>
      %dma_wait3A_64 = arith.constant 0 : i32
      %dma_wait3A_65 = tpu.memref_slice %arg10[%run_scoped3A_10, %dma_wait3A_64] : memref<8x128xi32, #tpu.memory_space<vmem>> -> memref<1x128xi32, #tpu.memory_space<vmem>>
      %dma_wait3A_66 = tpu.memref_squeeze %dma_wait3A_65 : memref<1x128xi32, #tpu.memory_space<vmem>> -> memref<128xi32, #tpu.memory_space<vmem>>
      %dma_wait3A_67 = arith.constant 0 : i32
      %dma_wait3A_68 = tpu.memref_slice %arg6[%dma_wait3A_67] : memref<100000xi32, #tpu.memory_space<hbm>> -> memref<100000xi32, #tpu.memory_space<hbm>>
      tpu.wait_indirect_dma semaphore(%run_scoped3A_54 : memref<!tpu.dma_semaphore, #tpu.memory_space<semaphore_mem>>) src(%dma_wait3A_63 : memref<128xi32, #tpu.memory_space<vmem>>) dst(%dma_wait3A_68 : memref<100000xi32, #tpu.memory_space<hbm>>)
      tpu.yield
    }) : () -> ()
    %run_scoped3A_11 = arith.constant 2 : i32
    %run_scoped3A_12 = arith.constant 2 : i32
    "tpu.region"() ({
      %run_scoped3A_54 = tpu.sem_alloc : memref<!tpu.dma_semaphore, #tpu.memory_space<semaphore_mem>>
      %dma_start3A = arith.constant 0 : i32
      %dma_start3A_55 = tpu.memref_slice %arg11[%run_scoped3A_11, %dma_start3A] : memref<8x128xi32, #tpu.memory_space<vmem>> -> memref<1x128xi32, #tpu.memory_space<vmem>>
      %dma_start3A_56 = tpu.memref_squeeze %dma_start3A_55 : memref<1x128xi32, #tpu.memory_space<vmem>> -> memref<128xi32, #tpu.memory_space<vmem>>
      %dma_start3A_57 = arith.constant 0 : i32
      %dma_start3A_58 = tpu.memref_slice %arg10[%run_scoped3A_12, %dma_start3A_57] : memref<8x128xi32, #tpu.memory_space<vmem>> -> memref<1x128xi32, #tpu.memory_space<vmem>>
      %dma_start3A_59 = tpu.memref_squeeze %dma_start3A_58 : memref<1x128xi32, #tpu.memory_space<vmem>> -> memref<128xi32, #tpu.memory_space<vmem>>
      %dma_start3A_60 = arith.constant 0 : i32
      %dma_start3A_61 = tpu.memref_slice %arg6[%dma_start3A_60] : memref<100000xi32, #tpu.memory_space<hbm>> -> memref<100000xi32, #tpu.memory_space<hbm>>
      tpu.enqueue_indirect_dma source(%dma_start3A_56 : memref<128xi32, #tpu.memory_space<vmem>>) target(%dma_start3A_61 : memref<100000xi32, #tpu.memory_space<hbm>>) offsets(%dma_start3A_59 : memref<128xi32, #tpu.memory_space<vmem>>) semaphore(%run_scoped3A_54 : memref<!tpu.dma_semaphore, #tpu.memory_space<semaphore_mem>>)
      %dma_wait3A = arith.constant 0 : i32
      %dma_wait3A_62 = tpu.memref_slice %arg11[%run_scoped3A_11, %dma_wait3A] : memref<8x128xi32, #tpu.memory_space<vmem>> -> memref<1x128xi32, #tpu.memory_space<vmem>>
      %dma_wait3A_63 = tpu.memref_squeeze %dma_wait3A_62 : memref<1x128xi32, #tpu.memory_space<vmem>> -> memref<128xi32, #tpu.memory_space<vmem>>
      %dma_wait3A_64 = arith.constant 0 : i32
      %dma_wait3A_65 = tpu.memref_slice %arg10[%run_scoped3A_12, %dma_wait3A_64] : memref<8x128xi32, #tpu.memory_space<vmem>> -> memref<1x128xi32, #tpu.memory_space<vmem>>
      %dma_wait3A_66 = tpu.memref_squeeze %dma_wait3A_65 : memref<1x128xi32, #tpu.memory_space<vmem>> -> memref<128xi32, #tpu.memory_space<vmem>>
      %dma_wait3A_67 = arith.constant 0 : i32
      %dma_wait3A_68 = tpu.memref_slice %arg6[%dma_wait3A_67] : memref<100000xi32, #tpu.memory_space<hbm>> -> memref<100000xi32, #tpu.memory_space<hbm>>
      tpu.wait_indirect_dma semaphore(%run_scoped3A_54 : memref<!tpu.dma_semaphore, #tpu.memory_space<semaphore_mem>>) src(%dma_wait3A_63 : memref<128xi32, #tpu.memory_space<vmem>>) dst(%dma_wait3A_68 : memref<100000xi32, #tpu.memory_space<hbm>>)
      tpu.yield
    }) : () -> ()
    %run_scoped3A_13 = arith.constant 3 : i32
    %run_scoped3A_14 = arith.constant 3 : i32
    "tpu.region"() ({
      %run_scoped3A_54 = tpu.sem_alloc : memref<!tpu.dma_semaphore, #tpu.memory_space<semaphore_mem>>
      %dma_start3A = arith.constant 0 : i32
      %dma_start3A_55 = tpu.memref_slice %arg11[%run_scoped3A_13, %dma_start3A] : memref<8x128xi32, #tpu.memory_space<vmem>> -> memref<1x128xi32, #tpu.memory_space<vmem>>
      %dma_start3A_56 = tpu.memref_squeeze %dma_start3A_55 : memref<1x128xi32, #tpu.memory_space<vmem>> -> memref<128xi32, #tpu.memory_space<vmem>>
      %dma_start3A_57 = arith.constant 0 : i32
      %dma_start3A_58 = tpu.memref_slice %arg10[%run_scoped3A_14, %dma_start3A_57] : memref<8x128xi32, #tpu.memory_space<vmem>> -> memref<1x128xi32, #tpu.memory_space<vmem>>
      %dma_start3A_59 = tpu.memref_squeeze %dma_start3A_58 : memref<1x128xi32, #tpu.memory_space<vmem>> -> memref<128xi32, #tpu.memory_space<vmem>>
      %dma_start3A_60 = arith.constant 0 : i32
      %dma_start3A_61 = tpu.memref_slice %arg6[%dma_start3A_60] : memref<100000xi32, #tpu.memory_space<hbm>> -> memref<100000xi32, #tpu.memory_space<hbm>>
      tpu.enqueue_indirect_dma source(%dma_start3A_56 : memref<128xi32, #tpu.memory_space<vmem>>) target(%dma_start3A_61 : memref<100000xi32, #tpu.memory_space<hbm>>) offsets(%dma_start3A_59 : memref<128xi32, #tpu.memory_space<vmem>>) semaphore(%run_scoped3A_54 : memref<!tpu.dma_semaphore, #tpu.memory_space<semaphore_mem>>)
      %dma_wait3A = arith.constant 0 : i32
      %dma_wait3A_62 = tpu.memref_slice %arg11[%run_scoped3A_13, %dma_wait3A] : memref<8x128xi32, #tpu.memory_space<vmem>> -> memref<1x128xi32, #tpu.memory_space<vmem>>
      %dma_wait3A_63 = tpu.memref_squeeze %dma_wait3A_62 : memref<1x128xi32, #tpu.memory_space<vmem>> -> memref<128xi32, #tpu.memory_space<vmem>>
      %dma_wait3A_64 = arith.constant 0 : i32
      %dma_wait3A_65 = tpu.memref_slice %arg10[%run_scoped3A_14, %dma_wait3A_64] : memref<8x128xi32, #tpu.memory_space<vmem>> -> memref<1x128xi32, #tpu.memory_space<vmem>>
      %dma_wait3A_66 = tpu.memref_squeeze %dma_wait3A_65 : memref<1x128xi32, #tpu.memory_space<vmem>> -> memref<128xi32, #tpu.memory_space<vmem>>
      %dma_wait3A_67 = arith.constant 0 : i32
      %dma_wait3A_68 = tpu.memref_slice %arg6[%dma_wait3A_67] : memref<100000xi32, #tpu.memory_space<hbm>> -> memref<100000xi32, #tpu.memory_space<hbm>>
      tpu.wait_indirect_dma semaphore(%run_scoped3A_54 : memref<!tpu.dma_semaphore, #tpu.memory_space<semaphore_mem>>) src(%dma_wait3A_63 : memref<128xi32, #tpu.memory_space<vmem>>) dst(%dma_wait3A_68 : memref<100000xi32, #tpu.memory_space<hbm>>)
      tpu.yield
    }) : () -> ()
    %run_scoped3A_15 = arith.constant 4 : i32
    %run_scoped3A_16 = arith.constant 4 : i32
    "tpu.region"() ({
      %run_scoped3A_54 = tpu.sem_alloc : memref<!tpu.dma_semaphore, #tpu.memory_space<semaphore_mem>>
      %dma_start3A = arith.constant 0 : i32
      %dma_start3A_55 = tpu.memref_slice %arg11[%run_scoped3A_15, %dma_start3A] : memref<8x128xi32, #tpu.memory_space<vmem>> -> memref<1x128xi32, #tpu.memory_space<vmem>>
      %dma_start3A_56 = tpu.memref_squeeze %dma_start3A_55 : memref<1x128xi32, #tpu.memory_space<vmem>> -> memref<128xi32, #tpu.memory_space<vmem>>
      %dma_start3A_57 = arith.constant 0 : i32
      %dma_start3A_58 = tpu.memref_slice %arg10[%run_scoped3A_16, %dma_start3A_57] : memref<8x128xi32, #tpu.memory_space<vmem>> -> memref<1x128xi32, #tpu.memory_space<vmem>>
      %dma_start3A_59 = tpu.memref_squeeze %dma_start3A_58 : memref<1x128xi32, #tpu.memory_space<vmem>> -> memref<128xi32, #tpu.memory_space<vmem>>
      %dma_start3A_60 = arith.constant 0 : i32
      %dma_start3A_61 = tpu.memref_slice %arg6[%dma_start3A_60] : memref<100000xi32, #tpu.memory_space<hbm>> -> memref<100000xi32, #tpu.memory_space<hbm>>
      tpu.enqueue_indirect_dma source(%dma_start3A_56 : memref<128xi32, #tpu.memory_space<vmem>>) target(%dma_start3A_61 : memref<100000xi32, #tpu.memory_space<hbm>>) offsets(%dma_start3A_59 : memref<128xi32, #tpu.memory_space<vmem>>) semaphore(%run_scoped3A_54 : memref<!tpu.dma_semaphore, #tpu.memory_space<semaphore_mem>>)
      %dma_wait3A = arith.constant 0 : i32
      %dma_wait3A_62 = tpu.memref_slice %arg11[%run_scoped3A_15, %dma_wait3A] : memref<8x128xi32, #tpu.memory_space<vmem>> -> memref<1x128xi32, #tpu.memory_space<vmem>>
      %dma_wait3A_63 = tpu.memref_squeeze %dma_wait3A_62 : memref<1x128xi32, #tpu.memory_space<vmem>> -> memref<128xi32, #tpu.memory_space<vmem>>
      %dma_wait3A_64 = arith.constant 0 : i32
      %dma_wait3A_65 = tpu.memref_slice %arg10[%run_scoped3A_16, %dma_wait3A_64] : memref<8x128xi32, #tpu.memory_space<vmem>> -> memref<1x128xi32, #tpu.memory_space<vmem>>
      %dma_wait3A_66 = tpu.memref_squeeze %dma_wait3A_65 : memref<1x128xi32, #tpu.memory_space<vmem>> -> memref<128xi32, #tpu.memory_space<vmem>>
      %dma_wait3A_67 = arith.constant 0 : i32
      %dma_wait3A_68 = tpu.memref_slice %arg6[%dma_wait3A_67] : memref<100000xi32, #tpu.memory_space<hbm>> -> memref<100000xi32, #tpu.memory_space<hbm>>
      tpu.wait_indirect_dma semaphore(%run_scoped3A_54 : memref<!tpu.dma_semaphore, #tpu.memory_space<semaphore_mem>>) src(%dma_wait3A_63 : memref<128xi32, #tpu.memory_space<vmem>>) dst(%dma_wait3A_68 : memref<100000xi32, #tpu.memory_space<hbm>>)
      tpu.yield
    }) : () -> ()
    %run_scoped3A_17 = arith.constant 5 : i32
    %run_scoped3A_18 = arith.constant 5 : i32
    "tpu.region"() ({
      %run_scoped3A_54 = tpu.sem_alloc : memref<!tpu.dma_semaphore, #tpu.memory_space<semaphore_mem>>
      %dma_start3A = arith.constant 0 : i32
      %dma_start3A_55 = tpu.memref_slice %arg11[%run_scoped3A_17, %dma_start3A] : memref<8x128xi32, #tpu.memory_space<vmem>> -> memref<1x128xi32, #tpu.memory_space<vmem>>
      %dma_start3A_56 = tpu.memref_squeeze %dma_start3A_55 : memref<1x128xi32, #tpu.memory_space<vmem>> -> memref<128xi32, #tpu.memory_space<vmem>>
      %dma_start3A_57 = arith.constant 0 : i32
      %dma_start3A_58 = tpu.memref_slice %arg10[%run_scoped3A_18, %dma_start3A_57] : memref<8x128xi32, #tpu.memory_space<vmem>> -> memref<1x128xi32, #tpu.memory_space<vmem>>
      %dma_start3A_59 = tpu.memref_squeeze %dma_start3A_58 : memref<1x128xi32, #tpu.memory_space<vmem>> -> memref<128xi32, #tpu.memory_space<vmem>>
      %dma_start3A_60 = arith.constant 0 : i32
      %dma_start3A_61 = tpu.memref_slice %arg6[%dma_start3A_60] : memref<100000xi32, #tpu.memory_space<hbm>> -> memref<100000xi32, #tpu.memory_space<hbm>>
      tpu.enqueue_indirect_dma source(%dma_start3A_56 : memref<128xi32, #tpu.memory_space<vmem>>) target(%dma_start3A_61 : memref<100000xi32, #tpu.memory_space<hbm>>) offsets(%dma_start3A_59 : memref<128xi32, #tpu.memory_space<vmem>>) semaphore(%run_scoped3A_54 : memref<!tpu.dma_semaphore, #tpu.memory_space<semaphore_mem>>)
      %dma_wait3A = arith.constant 0 : i32
      %dma_wait3A_62 = tpu.memref_slice %arg11[%run_scoped3A_17, %dma_wait3A] : memref<8x128xi32, #tpu.memory_space<vmem>> -> memref<1x128xi32, #tpu.memory_space<vmem>>
      %dma_wait3A_63 = tpu.memref_squeeze %dma_wait3A_62 : memref<1x128xi32, #tpu.memory_space<vmem>> -> memref<128xi32, #tpu.memory_space<vmem>>
      %dma_wait3A_64 = arith.constant 0 : i32
      %dma_wait3A_65 = tpu.memref_slice %arg10[%run_scoped3A_18, %dma_wait3A_64] : memref<8x128xi32, #tpu.memory_space<vmem>> -> memref<1x128xi32, #tpu.memory_space<vmem>>
      %dma_wait3A_66 = tpu.memref_squeeze %dma_wait3A_65 : memref<1x128xi32, #tpu.memory_space<vmem>> -> memref<128xi32, #tpu.memory_space<vmem>>
      %dma_wait3A_67 = arith.constant 0 : i32
      %dma_wait3A_68 = tpu.memref_slice %arg6[%dma_wait3A_67] : memref<100000xi32, #tpu.memory_space<hbm>> -> memref<100000xi32, #tpu.memory_space<hbm>>
      tpu.wait_indirect_dma semaphore(%run_scoped3A_54 : memref<!tpu.dma_semaphore, #tpu.memory_space<semaphore_mem>>) src(%dma_wait3A_63 : memref<128xi32, #tpu.memory_space<vmem>>) dst(%dma_wait3A_68 : memref<100000xi32, #tpu.memory_space<hbm>>)
      tpu.yield
    }) : () -> ()
    %run_scoped3A_19 = arith.constant 6 : i32
    %run_scoped3A_20 = arith.constant 6 : i32
    "tpu.region"() ({
      %run_scoped3A_54 = tpu.sem_alloc : memref<!tpu.dma_semaphore, #tpu.memory_space<semaphore_mem>>
      %dma_start3A = arith.constant 0 : i32
      %dma_start3A_55 = tpu.memref_slice %arg11[%run_scoped3A_19, %dma_start3A] : memref<8x128xi32, #tpu.memory_space<vmem>> -> memref<1x128xi32, #tpu.memory_space<vmem>>
      %dma_start3A_56 = tpu.memref_squeeze %dma_start3A_55 : memref<1x128xi32, #tpu.memory_space<vmem>> -> memref<128xi32, #tpu.memory_space<vmem>>
      %dma_start3A_57 = arith.constant 0 : i32
      %dma_start3A_58 = tpu.memref_slice %arg10[%run_scoped3A_20, %dma_start3A_57] : memref<8x128xi32, #tpu.memory_space<vmem>> -> memref<1x128xi32, #tpu.memory_space<vmem>>
      %dma_start3A_59 = tpu.memref_squeeze %dma_start3A_58 : memref<1x128xi32, #tpu.memory_space<vmem>> -> memref<128xi32, #tpu.memory_space<vmem>>
      %dma_start3A_60 = arith.constant 0 : i32
      %dma_start3A_61 = tpu.memref_slice %arg6[%dma_start3A_60] : memref<100000xi32, #tpu.memory_space<hbm>> -> memref<100000xi32, #tpu.memory_space<hbm>>
      tpu.enqueue_indirect_dma source(%dma_start3A_56 : memref<128xi32, #tpu.memory_space<vmem>>) target(%dma_start3A_61 : memref<100000xi32, #tpu.memory_space<hbm>>) offsets(%dma_start3A_59 : memref<128xi32, #tpu.memory_space<vmem>>) semaphore(%run_scoped3A_54 : memref<!tpu.dma_semaphore, #tpu.memory_space<semaphore_mem>>)
      %dma_wait3A = arith.constant 0 : i32
      %dma_wait3A_62 = tpu.memref_slice %arg11[%run_scoped3A_19, %dma_wait3A] : memref<8x128xi32, #tpu.memory_space<vmem>> -> memref<1x128xi32, #tpu.memory_space<vmem>>
      %dma_wait3A_63 = tpu.memref_squeeze %dma_wait3A_62 : memref<1x128xi32, #tpu.memory_space<vmem>> -> memref<128xi32, #tpu.memory_space<vmem>>
      %dma_wait3A_64 = arith.constant 0 : i32
      %dma_wait3A_65 = tpu.memref_slice %arg10[%run_scoped3A_20, %dma_wait3A_64] : memref<8x128xi32, #tpu.memory_space<vmem>> -> memref<1x128xi32, #tpu.memory_space<vmem>>
      %dma_wait3A_66 = tpu.memref_squeeze %dma_wait3A_65 : memref<1x128xi32, #tpu.memory_space<vmem>> -> memref<128xi32, #tpu.memory_space<vmem>>
      %dma_wait3A_67 = arith.constant 0 : i32
      %dma_wait3A_68 = tpu.memref_slice %arg6[%dma_wait3A_67] : memref<100000xi32, #tpu.memory_space<hbm>> -> memref<100000xi32, #tpu.memory_space<hbm>>
      tpu.wait_indirect_dma semaphore(%run_scoped3A_54 : memref<!tpu.dma_semaphore, #tpu.memory_space<semaphore_mem>>) src(%dma_wait3A_63 : memref<128xi32, #tpu.memory_space<vmem>>) dst(%dma_wait3A_68 : memref<100000xi32, #tpu.memory_space<hbm>>)
      tpu.yield
    }) : () -> ()
    %run_scoped3A_21 = arith.constant 7 : i32
    %run_scoped3A_22 = arith.constant 7 : i32
    "tpu.region"() ({
      %run_scoped3A_54 = tpu.sem_alloc : memref<!tpu.dma_semaphore, #tpu.memory_space<semaphore_mem>>
      %dma_start3A = arith.constant 0 : i32
      %dma_start3A_55 = tpu.memref_slice %arg11[%run_scoped3A_21, %dma_start3A] : memref<8x128xi32, #tpu.memory_space<vmem>> -> memref<1x128xi32, #tpu.memory_space<vmem>>
      %dma_start3A_56 = tpu.memref_squeeze %dma_start3A_55 : memref<1x128xi32, #tpu.memory_space<vmem>> -> memref<128xi32, #tpu.memory_space<vmem>>
      %dma_start3A_57 = arith.constant 0 : i32
      %dma_start3A_58 = tpu.memref_slice %arg10[%run_scoped3A_22, %dma_start3A_57] : memref<8x128xi32, #tpu.memory_space<vmem>> -> memref<1x128xi32, #tpu.memory_space<vmem>>
      %dma_start3A_59 = tpu.memref_squeeze %dma_start3A_58 : memref<1x128xi32, #tpu.memory_space<vmem>> -> memref<128xi32, #tpu.memory_space<vmem>>
      %dma_start3A_60 = arith.constant 0 : i32
      %dma_start3A_61 = tpu.memref_slice %arg6[%dma_start3A_60] : memref<100000xi32, #tpu.memory_space<hbm>> -> memref<100000xi32, #tpu.memory_space<hbm>>
      tpu.enqueue_indirect_dma source(%dma_start3A_56 : memref<128xi32, #tpu.memory_space<vmem>>) target(%dma_start3A_61 : memref<100000xi32, #tpu.memory_space<hbm>>) offsets(%dma_start3A_59 : memref<128xi32, #tpu.memory_space<vmem>>) semaphore(%run_scoped3A_54 : memref<!tpu.dma_semaphore, #tpu.memory_space<semaphore_mem>>)
      %dma_wait3A = arith.constant 0 : i32
      %dma_wait3A_62 = tpu.memref_slice %arg11[%run_scoped3A_21, %dma_wait3A] : memref<8x128xi32, #tpu.memory_space<vmem>> -> memref<1x128xi32, #tpu.memory_space<vmem>>
      %dma_wait3A_63 = tpu.memref_squeeze %dma_wait3A_62 : memref<1x128xi32, #tpu.memory_space<vmem>> -> memref<128xi32, #tpu.memory_space<vmem>>
      %dma_wait3A_64 = arith.constant 0 : i32
      %dma_wait3A_65 = tpu.memref_slice %arg10[%run_scoped3A_22, %dma_wait3A_64] : memref<8x128xi32, #tpu.memory_space<vmem>> -> memref<1x128xi32, #tpu.memory_space<vmem>>
      %dma_wait3A_66 = tpu.memref_squeeze %dma_wait3A_65 : memref<1x128xi32, #tpu.memory_space<vmem>> -> memref<128xi32, #tpu.memory_space<vmem>>
      %dma_wait3A_67 = arith.constant 0 : i32
      %dma_wait3A_68 = tpu.memref_slice %arg6[%dma_wait3A_67] : memref<100000xi32, #tpu.memory_space<hbm>> -> memref<100000xi32, #tpu.memory_space<hbm>>
      tpu.wait_indirect_dma semaphore(%run_scoped3A_54 : memref<!tpu.dma_semaphore, #tpu.memory_space<semaphore_mem>>) src(%dma_wait3A_63 : memref<128xi32, #tpu.memory_space<vmem>>) dst(%dma_wait3A_68 : memref<100000xi32, #tpu.memory_space<hbm>>)
      tpu.yield
    }) : () -> ()
    %barrier3A = arith.constant 0 : index
    tpu.barrier barrier_id(%barrier3A)
    %run_scoped3A_23 = arith.constant 0 : i32
    %run_scoped3A_24 = arith.constant 0 : i32
    "tpu.region"() ({
      %run_scoped3A_54 = tpu.sem_alloc : memref<!tpu.dma_semaphore, #tpu.memory_space<semaphore_mem>>
      %dma_start3A = arith.constant 0 : i32
      %dma_start3A_55 = tpu.memref_slice %arg12[%run_scoped3A_24, %dma_start3A] : memref<8x128xi32, #tpu.memory_space<vmem>> -> memref<1x128xi32, #tpu.memory_space<vmem>>
      %dma_start3A_56 = tpu.memref_squeeze %dma_start3A_55 : memref<1x128xi32, #tpu.memory_space<vmem>> -> memref<128xi32, #tpu.memory_space<vmem>>
      %dma_start3A_57 = arith.constant 0 : i32
      %dma_start3A_58 = tpu.memref_slice %arg10[%run_scoped3A_23, %dma_start3A_57] : memref<8x128xi32, #tpu.memory_space<vmem>> -> memref<1x128xi32, #tpu.memory_space<vmem>>
      %dma_start3A_59 = tpu.memref_squeeze %dma_start3A_58 : memref<1x128xi32, #tpu.memory_space<vmem>> -> memref<128xi32, #tpu.memory_space<vmem>>
      %dma_start3A_60 = arith.constant 0 : i32
      %dma_start3A_61 = tpu.memref_slice %arg6[%dma_start3A_60] : memref<100000xi32, #tpu.memory_space<hbm>> -> memref<100000xi32, #tpu.memory_space<hbm>>
      tpu.enqueue_indirect_dma source(%dma_start3A_61 : memref<100000xi32, #tpu.memory_space<hbm>>) target(%dma_start3A_56 : memref<128xi32, #tpu.memory_space<vmem>>) offsets(%dma_start3A_59 : memref<128xi32, #tpu.memory_space<vmem>>) semaphore(%run_scoped3A_54 : memref<!tpu.dma_semaphore, #tpu.memory_space<semaphore_mem>>)
      %dma_wait3A = arith.constant 0 : i32
      %dma_wait3A_62 = tpu.memref_slice %arg12[%run_scoped3A_24, %dma_wait3A] : memref<8x128xi32, #tpu.memory_space<vmem>> -> memref<1x128xi32, #tpu.memory_space<vmem>>
      %dma_wait3A_63 = tpu.memref_squeeze %dma_wait3A_62 : memref<1x128xi32, #tpu.memory_space<vmem>> -> memref<128xi32, #tpu.memory_space<vmem>>
      %dma_wait3A_64 = arith.constant 0 : i32
      %dma_wait3A_65 = tpu.memref_slice %arg10[%run_scoped3A_23, %dma_wait3A_64] : memref<8x128xi32, #tpu.memory_space<vmem>> -> memref<1x128xi32, #tpu.memory_space<vmem>>
      %dma_wait3A_66 = tpu.memref_squeeze %dma_wait3A_65 : memref<1x128xi32, #tpu.memory_space<vmem>> -> memref<128xi32, #tpu.memory_space<vmem>>
      %dma_wait3A_67 = arith.constant 0 : i32
      %dma_wait3A_68 = tpu.memref_slice %arg6[%dma_wait3A_67] : memref<100000xi32, #tpu.memory_space<hbm>> -> memref<100000xi32, #tpu.memory_space<hbm>>
      tpu.wait_indirect_dma semaphore(%run_scoped3A_54 : memref<!tpu.dma_semaphore, #tpu.memory_space<semaphore_mem>>) src(%dma_wait3A_68 : memref<100000xi32, #tpu.memory_space<hbm>>) dst(%dma_wait3A_63 : memref<128xi32, #tpu.memory_space<vmem>>)
      tpu.yield
    }) : () -> ()
    %run_scoped3A_25 = arith.constant 0 : i32
    "tpu.region"() ({
      %run_scoped3A_54 = tpu.sem_alloc : memref<!tpu.dma_semaphore, #tpu.memory_space<semaphore_mem>>
      %dma_start3A = arith.constant 0 : i32
      %dma_start3A_55 = tpu.memref_slice %arg12[%run_scoped3A_25, %dma_start3A] : memref<8x128xi32, #tpu.memory_space<vmem>> -> memref<1x128xi32, #tpu.memory_space<vmem>>
      %dma_start3A_56 = tpu.memref_squeeze %dma_start3A_55 : memref<1x128xi32, #tpu.memory_space<vmem>> -> memref<128xi32, #tpu.memory_space<vmem>>
      %dma_start3A_57 = arith.constant 0 : i32
      %dma_start3A_58 = arith.constant 0 : i32
      %dma_start3A_59 = tpu.memref_slice %arg9[%dma_start3A_57, %dma_start3A_58] : memref<16384x16xf32, #tpu.memory_space<vmem_shared>> -> memref<16384x16xf32, #tpu.memory_space<vmem_shared>>
      tpu.enqueue_indirect_dma source(%arg14 : memref<128x16xf32, #tpu.memory_space<vmem>>) target(%dma_start3A_59 : memref<16384x16xf32, #tpu.memory_space<vmem_shared>>) offsets(%dma_start3A_56 : memref<128xi32, #tpu.memory_space<vmem>>) semaphore(%run_scoped3A_54 : memref<!tpu.dma_semaphore, #tpu.memory_space<semaphore_mem>>) {add = true}
      %dma_wait3A = arith.constant 0 : i32
      %dma_wait3A_60 = tpu.memref_slice %arg12[%run_scoped3A_25, %dma_wait3A] : memref<8x128xi32, #tpu.memory_space<vmem>> -> memref<1x128xi32, #tpu.memory_space<vmem>>
      %dma_wait3A_61 = tpu.memref_squeeze %dma_wait3A_60 : memref<1x128xi32, #tpu.memory_space<vmem>> -> memref<128xi32, #tpu.memory_space<vmem>>
      %dma_wait3A_62 = arith.constant 0 : i32
      %dma_wait3A_63 = arith.constant 0 : i32
      %dma_wait3A_64 = tpu.memref_slice %arg9[%dma_wait3A_62, %dma_wait3A_63] : memref<16384x16xf32, #tpu.memory_space<vmem_shared>> -> memref<16384x16xf32, #tpu.memory_space<vmem_shared>>
      tpu.wait_indirect_dma semaphore(%run_scoped3A_54 : memref<!tpu.dma_semaphore, #tpu.memory_space<semaphore_mem>>) src(%arg14 : memref<128x16xf32, #tpu.memory_space<vmem>>) dst(%dma_wait3A_64 : memref<16384x16xf32, #tpu.memory_space<vmem_shared>>)
      tpu.yield
    }) : () -> ()
    %run_scoped3A_26 = arith.constant 1 : i32
    %run_scoped3A_27 = arith.constant 1 : i32
    "tpu.region"() ({
      %run_scoped3A_54 = tpu.sem_alloc : memref<!tpu.dma_semaphore, #tpu.memory_space<semaphore_mem>>
      %dma_start3A = arith.constant 0 : i32
      %dma_start3A_55 = tpu.memref_slice %arg12[%run_scoped3A_27, %dma_start3A] : memref<8x128xi32, #tpu.memory_space<vmem>> -> memref<1x128xi32, #tpu.memory_space<vmem>>
      %dma_start3A_56 = tpu.memref_squeeze %dma_start3A_55 : memref<1x128xi32, #tpu.memory_space<vmem>> -> memref<128xi32, #tpu.memory_space<vmem>>
      %dma_start3A_57 = arith.constant 0 : i32
      %dma_start3A_58 = tpu.memref_slice %arg10[%run_scoped3A_26, %dma_start3A_57] : memref<8x128xi32, #tpu.memory_space<vmem>> -> memref<1x128xi32, #tpu.memory_space<vmem>>
      %dma_start3A_59 = tpu.memref_squeeze %dma_start3A_58 : memref<1x128xi32, #tpu.memory_space<vmem>> -> memref<128xi32, #tpu.memory_space<vmem>>
      %dma_start3A_60 = arith.constant 0 : i32
      %dma_start3A_61 = tpu.memref_slice %arg6[%dma_start3A_60] : memref<100000xi32, #tpu.memory_space<hbm>> -> memref<100000xi32, #tpu.memory_space<hbm>>
      tpu.enqueue_indirect_dma source(%dma_start3A_61 : memref<100000xi32, #tpu.memory_space<hbm>>) target(%dma_start3A_56 : memref<128xi32, #tpu.memory_space<vmem>>) offsets(%dma_start3A_59 : memref<128xi32, #tpu.memory_space<vmem>>) semaphore(%run_scoped3A_54 : memref<!tpu.dma_semaphore, #tpu.memory_space<semaphore_mem>>)
      %dma_wait3A = arith.constant 0 : i32
      %dma_wait3A_62 = tpu.memref_slice %arg12[%run_scoped3A_27, %dma_wait3A] : memref<8x128xi32, #tpu.memory_space<vmem>> -> memref<1x128xi32, #tpu.memory_space<vmem>>
      %dma_wait3A_63 = tpu.memref_squeeze %dma_wait3A_62 : memref<1x128xi32, #tpu.memory_space<vmem>> -> memref<128xi32, #tpu.memory_space<vmem>>
      %dma_wait3A_64 = arith.constant 0 : i32
      %dma_wait3A_65 = tpu.memref_slice %arg10[%run_scoped3A_26, %dma_wait3A_64] : memref<8x128xi32, #tpu.memory_space<vmem>> -> memref<1x128xi32, #tpu.memory_space<vmem>>
      %dma_wait3A_66 = tpu.memref_squeeze %dma_wait3A_65 : memref<1x128xi32, #tpu.memory_space<vmem>> -> memref<128xi32, #tpu.memory_space<vmem>>
      %dma_wait3A_67 = arith.constant 0 : i32
      %dma_wait3A_68 = tpu.memref_slice %arg6[%dma_wait3A_67] : memref<100000xi32, #tpu.memory_space<hbm>> -> memref<100000xi32, #tpu.memory_space<hbm>>
      tpu.wait_indirect_dma semaphore(%run_scoped3A_54 : memref<!tpu.dma_semaphore, #tpu.memory_space<semaphore_mem>>) src(%dma_wait3A_68 : memref<100000xi32, #tpu.memory_space<hbm>>) dst(%dma_wait3A_63 : memref<128xi32, #tpu.memory_space<vmem>>)
      tpu.yield
    }) : () -> ()
    %run_scoped3A_28 = arith.constant 1 : i32
    "tpu.region"() ({
      %run_scoped3A_54 = tpu.sem_alloc : memref<!tpu.dma_semaphore, #tpu.memory_space<semaphore_mem>>
      %dma_start3A = arith.constant 0 : i32
      %dma_start3A_55 = tpu.memref_slice %arg12[%run_scoped3A_28, %dma_start3A] : memref<8x128xi32, #tpu.memory_space<vmem>> -> memref<1x128xi32, #tpu.memory_space<vmem>>
      %dma_start3A_56 = tpu.memref_squeeze %dma_start3A_55 : memref<1x128xi32, #tpu.memory_space<vmem>> -> memref<128xi32, #tpu.memory_space<vmem>>
      %dma_start3A_57 = arith.constant 0 : i32
      %dma_start3A_58 = arith.constant 0 : i32
      %dma_start3A_59 = tpu.memref_slice %arg9[%dma_start3A_57, %dma_start3A_58] : memref<16384x16xf32, #tpu.memory_space<vmem_shared>> -> memref<16384x16xf32, #tpu.memory_space<vmem_shared>>
      tpu.enqueue_indirect_dma source(%arg14 : memref<128x16xf32, #tpu.memory_space<vmem>>) target(%dma_start3A_59 : memref<16384x16xf32, #tpu.memory_space<vmem_shared>>) offsets(%dma_start3A_56 : memref<128xi32, #tpu.memory_space<vmem>>) semaphore(%run_scoped3A_54 : memref<!tpu.dma_semaphore, #tpu.memory_space<semaphore_mem>>) {add = true}
      %dma_wait3A = arith.constant 0 : i32
      %dma_wait3A_60 = tpu.memref_slice %arg12[%run_scoped3A_28, %dma_wait3A] : memref<8x128xi32, #tpu.memory_space<vmem>> -> memref<1x128xi32, #tpu.memory_space<vmem>>
      %dma_wait3A_61 = tpu.memref_squeeze %dma_wait3A_60 : memref<1x128xi32, #tpu.memory_space<vmem>> -> memref<128xi32, #tpu.memory_space<vmem>>
      %dma_wait3A_62 = arith.constant 0 : i32
      %dma_wait3A_63 = arith.constant 0 : i32
      %dma_wait3A_64 = tpu.memref_slice %arg9[%dma_wait3A_62, %dma_wait3A_63] : memref<16384x16xf32, #tpu.memory_space<vmem_shared>> -> memref<16384x16xf32, #tpu.memory_space<vmem_shared>>
      tpu.wait_indirect_dma semaphore(%run_scoped3A_54 : memref<!tpu.dma_semaphore, #tpu.memory_space<semaphore_mem>>) src(%arg14 : memref<128x16xf32, #tpu.memory_space<vmem>>) dst(%dma_wait3A_64 : memref<16384x16xf32, #tpu.memory_space<vmem_shared>>)
      tpu.yield
    }) : () -> ()
    %run_scoped3A_29 = arith.constant 2 : i32
    %run_scoped3A_30 = arith.constant 2 : i32
    "tpu.region"() ({
      %run_scoped3A_54 = tpu.sem_alloc : memref<!tpu.dma_semaphore, #tpu.memory_space<semaphore_mem>>
      %dma_start3A = arith.constant 0 : i32
      %dma_start3A_55 = tpu.memref_slice %arg12[%run_scoped3A_30, %dma_start3A] : memref<8x128xi32, #tpu.memory_space<vmem>> -> memref<1x128xi32, #tpu.memory_space<vmem>>
      %dma_start3A_56 = tpu.memref_squeeze %dma_start3A_55 : memref<1x128xi32, #tpu.memory_space<vmem>> -> memref<128xi32, #tpu.memory_space<vmem>>
      %dma_start3A_57 = arith.constant 0 : i32
      %dma_start3A_58 = tpu.memref_slice %arg10[%run_scoped3A_29, %dma_start3A_57] : memref<8x128xi32, #tpu.memory_space<vmem>> -> memref<1x128xi32, #tpu.memory_space<vmem>>
      %dma_start3A_59 = tpu.memref_squeeze %dma_start3A_58 : memref<1x128xi32, #tpu.memory_space<vmem>> -> memref<128xi32, #tpu.memory_space<vmem>>
      %dma_start3A_60 = arith.constant 0 : i32
      %dma_start3A_61 = tpu.memref_slice %arg6[%dma_start3A_60] : memref<100000xi32, #tpu.memory_space<hbm>> -> memref<100000xi32, #tpu.memory_space<hbm>>
      tpu.enqueue_indirect_dma source(%dma_start3A_61 : memref<100000xi32, #tpu.memory_space<hbm>>) target(%dma_start3A_56 : memref<128xi32, #tpu.memory_space<vmem>>) offsets(%dma_start3A_59 : memref<128xi32, #tpu.memory_space<vmem>>) semaphore(%run_scoped3A_54 : memref<!tpu.dma_semaphore, #tpu.memory_space<semaphore_mem>>)
      %dma_wait3A = arith.constant 0 : i32
      %dma_wait3A_62 = tpu.memref_slice %arg12[%run_scoped3A_30, %dma_wait3A] : memref<8x128xi32, #tpu.memory_space<vmem>> -> memref<1x128xi32, #tpu.memory_space<vmem>>
      %dma_wait3A_63 = tpu.memref_squeeze %dma_wait3A_62 : memref<1x128xi32, #tpu.memory_space<vmem>> -> memref<128xi32, #tpu.memory_space<vmem>>
      %dma_wait3A_64 = arith.constant 0 : i32
      %dma_wait3A_65 = tpu.memref_slice %arg10[%run_scoped3A_29, %dma_wait3A_64] : memref<8x128xi32, #tpu.memory_space<vmem>> -> memref<1x128xi32, #tpu.memory_space<vmem>>
      %dma_wait3A_66 = tpu.memref_squeeze %dma_wait3A_65 : memref<1x128xi32, #tpu.memory_space<vmem>> -> memref<128xi32, #tpu.memory_space<vmem>>
      %dma_wait3A_67 = arith.constant 0 : i32
      %dma_wait3A_68 = tpu.memref_slice %arg6[%dma_wait3A_67] : memref<100000xi32, #tpu.memory_space<hbm>> -> memref<100000xi32, #tpu.memory_space<hbm>>
      tpu.wait_indirect_dma semaphore(%run_scoped3A_54 : memref<!tpu.dma_semaphore, #tpu.memory_space<semaphore_mem>>) src(%dma_wait3A_68 : memref<100000xi32, #tpu.memory_space<hbm>>) dst(%dma_wait3A_63 : memref<128xi32, #tpu.memory_space<vmem>>)
      tpu.yield
    }) : () -> ()
    %run_scoped3A_31 = arith.constant 2 : i32
    "tpu.region"() ({
      %run_scoped3A_54 = tpu.sem_alloc : memref<!tpu.dma_semaphore, #tpu.memory_space<semaphore_mem>>
      %dma_start3A = arith.constant 0 : i32
      %dma_start3A_55 = tpu.memref_slice %arg12[%run_scoped3A_31, %dma_start3A] : memref<8x128xi32, #tpu.memory_space<vmem>> -> memref<1x128xi32, #tpu.memory_space<vmem>>
      %dma_start3A_56 = tpu.memref_squeeze %dma_start3A_55 : memref<1x128xi32, #tpu.memory_space<vmem>> -> memref<128xi32, #tpu.memory_space<vmem>>
      %dma_start3A_57 = arith.constant 0 : i32
      %dma_start3A_58 = arith.constant 0 : i32
      %dma_start3A_59 = tpu.memref_slice %arg9[%dma_start3A_57, %dma_start3A_58] : memref<16384x16xf32, #tpu.memory_space<vmem_shared>> -> memref<16384x16xf32, #tpu.memory_space<vmem_shared>>
      tpu.enqueue_indirect_dma source(%arg14 : memref<128x16xf32, #tpu.memory_space<vmem>>) target(%dma_start3A_59 : memref<16384x16xf32, #tpu.memory_space<vmem_shared>>) offsets(%dma_start3A_56 : memref<128xi32, #tpu.memory_space<vmem>>) semaphore(%run_scoped3A_54 : memref<!tpu.dma_semaphore, #tpu.memory_space<semaphore_mem>>) {add = true}
      %dma_wait3A = arith.constant 0 : i32
      %dma_wait3A_60 = tpu.memref_slice %arg12[%run_scoped3A_31, %dma_wait3A] : memref<8x128xi32, #tpu.memory_space<vmem>> -> memref<1x128xi32, #tpu.memory_space<vmem>>
      %dma_wait3A_61 = tpu.memref_squeeze %dma_wait3A_60 : memref<1x128xi32, #tpu.memory_space<vmem>> -> memref<128xi32, #tpu.memory_space<vmem>>
      %dma_wait3A_62 = arith.constant 0 : i32
      %dma_wait3A_63 = arith.constant 0 : i32
      %dma_wait3A_64 = tpu.memref_slice %arg9[%dma_wait3A_62, %dma_wait3A_63] : memref<16384x16xf32, #tpu.memory_space<vmem_shared>> -> memref<16384x16xf32, #tpu.memory_space<vmem_shared>>
      tpu.wait_indirect_dma semaphore(%run_scoped3A_54 : memref<!tpu.dma_semaphore, #tpu.memory_space<semaphore_mem>>) src(%arg14 : memref<128x16xf32, #tpu.memory_space<vmem>>) dst(%dma_wait3A_64 : memref<16384x16xf32, #tpu.memory_space<vmem_shared>>)
      tpu.yield
    }) : () -> ()
    %run_scoped3A_32 = arith.constant 3 : i32
    %run_scoped3A_33 = arith.constant 3 : i32
    "tpu.region"() ({
      %run_scoped3A_54 = tpu.sem_alloc : memref<!tpu.dma_semaphore, #tpu.memory_space<semaphore_mem>>
      %dma_start3A = arith.constant 0 : i32
      %dma_start3A_55 = tpu.memref_slice %arg12[%run_scoped3A_33, %dma_start3A] : memref<8x128xi32, #tpu.memory_space<vmem>> -> memref<1x128xi32, #tpu.memory_space<vmem>>
      %dma_start3A_56 = tpu.memref_squeeze %dma_start3A_55 : memref<1x128xi32, #tpu.memory_space<vmem>> -> memref<128xi32, #tpu.memory_space<vmem>>
      %dma_start3A_57 = arith.constant 0 : i32
      %dma_start3A_58 = tpu.memref_slice %arg10[%run_scoped3A_32, %dma_start3A_57] : memref<8x128xi32, #tpu.memory_space<vmem>> -> memref<1x128xi32, #tpu.memory_space<vmem>>
      %dma_start3A_59 = tpu.memref_squeeze %dma_start3A_58 : memref<1x128xi32, #tpu.memory_space<vmem>> -> memref<128xi32, #tpu.memory_space<vmem>>
      %dma_start3A_60 = arith.constant 0 : i32
      %dma_start3A_61 = tpu.memref_slice %arg6[%dma_start3A_60] : memref<100000xi32, #tpu.memory_space<hbm>> -> memref<100000xi32, #tpu.memory_space<hbm>>
      tpu.enqueue_indirect_dma source(%dma_start3A_61 : memref<100000xi32, #tpu.memory_space<hbm>>) target(%dma_start3A_56 : memref<128xi32, #tpu.memory_space<vmem>>) offsets(%dma_start3A_59 : memref<128xi32, #tpu.memory_space<vmem>>) semaphore(%run_scoped3A_54 : memref<!tpu.dma_semaphore, #tpu.memory_space<semaphore_mem>>)
      %dma_wait3A = arith.constant 0 : i32
      %dma_wait3A_62 = tpu.memref_slice %arg12[%run_scoped3A_33, %dma_wait3A] : memref<8x128xi32, #tpu.memory_space<vmem>> -> memref<1x128xi32, #tpu.memory_space<vmem>>
      %dma_wait3A_63 = tpu.memref_squeeze %dma_wait3A_62 : memref<1x128xi32, #tpu.memory_space<vmem>> -> memref<128xi32, #tpu.memory_space<vmem>>
      %dma_wait3A_64 = arith.constant 0 : i32
      %dma_wait3A_65 = tpu.memref_slice %arg10[%run_scoped3A_32, %dma_wait3A_64] : memref<8x128xi32, #tpu.memory_space<vmem>> -> memref<1x128xi32, #tpu.memory_space<vmem>>
      %dma_wait3A_66 = tpu.memref_squeeze %dma_wait3A_65 : memref<1x128xi32, #tpu.memory_space<vmem>> -> memref<128xi32, #tpu.memory_space<vmem>>
      %dma_wait3A_67 = arith.constant 0 : i32
      %dma_wait3A_68 = tpu.memref_slice %arg6[%dma_wait3A_67] : memref<100000xi32, #tpu.memory_space<hbm>> -> memref<100000xi32, #tpu.memory_space<hbm>>
      tpu.wait_indirect_dma semaphore(%run_scoped3A_54 : memref<!tpu.dma_semaphore, #tpu.memory_space<semaphore_mem>>) src(%dma_wait3A_68 : memref<100000xi32, #tpu.memory_space<hbm>>) dst(%dma_wait3A_63 : memref<128xi32, #tpu.memory_space<vmem>>)
      tpu.yield
    }) : () -> ()
    %run_scoped3A_34 = arith.constant 3 : i32
    "tpu.region"() ({
      %run_scoped3A_54 = tpu.sem_alloc : memref<!tpu.dma_semaphore, #tpu.memory_space<semaphore_mem>>
      %dma_start3A = arith.constant 0 : i32
      %dma_start3A_55 = tpu.memref_slice %arg12[%run_scoped3A_34, %dma_start3A] : memref<8x128xi32, #tpu.memory_space<vmem>> -> memref<1x128xi32, #tpu.memory_space<vmem>>
      %dma_start3A_56 = tpu.memref_squeeze %dma_start3A_55 : memref<1x128xi32, #tpu.memory_space<vmem>> -> memref<128xi32, #tpu.memory_space<vmem>>
      %dma_start3A_57 = arith.constant 0 : i32
      %dma_start3A_58 = arith.constant 0 : i32
      %dma_start3A_59 = tpu.memref_slice %arg9[%dma_start3A_57, %dma_start3A_58] : memref<16384x16xf32, #tpu.memory_space<vmem_shared>> -> memref<16384x16xf32, #tpu.memory_space<vmem_shared>>
      tpu.enqueue_indirect_dma source(%arg14 : memref<128x16xf32, #tpu.memory_space<vmem>>) target(%dma_start3A_59 : memref<16384x16xf32, #tpu.memory_space<vmem_shared>>) offsets(%dma_start3A_56 : memref<128xi32, #tpu.memory_space<vmem>>) semaphore(%run_scoped3A_54 : memref<!tpu.dma_semaphore, #tpu.memory_space<semaphore_mem>>) {add = true}
      %dma_wait3A = arith.constant 0 : i32
      %dma_wait3A_60 = tpu.memref_slice %arg12[%run_scoped3A_34, %dma_wait3A] : memref<8x128xi32, #tpu.memory_space<vmem>> -> memref<1x128xi32, #tpu.memory_space<vmem>>
      %dma_wait3A_61 = tpu.memref_squeeze %dma_wait3A_60 : memref<1x128xi32, #tpu.memory_space<vmem>> -> memref<128xi32, #tpu.memory_space<vmem>>
      %dma_wait3A_62 = arith.constant 0 : i32
      %dma_wait3A_63 = arith.constant 0 : i32
      %dma_wait3A_64 = tpu.memref_slice %arg9[%dma_wait3A_62, %dma_wait3A_63] : memref<16384x16xf32, #tpu.memory_space<vmem_shared>> -> memref<16384x16xf32, #tpu.memory_space<vmem_shared>>
      tpu.wait_indirect_dma semaphore(%run_scoped3A_54 : memref<!tpu.dma_semaphore, #tpu.memory_space<semaphore_mem>>) src(%arg14 : memref<128x16xf32, #tpu.memory_space<vmem>>) dst(%dma_wait3A_64 : memref<16384x16xf32, #tpu.memory_space<vmem_shared>>)
      tpu.yield
    }) : () -> ()
    %run_scoped3A_35 = arith.constant 4 : i32
    %run_scoped3A_36 = arith.constant 4 : i32
    "tpu.region"() ({
      %run_scoped3A_54 = tpu.sem_alloc : memref<!tpu.dma_semaphore, #tpu.memory_space<semaphore_mem>>
      %dma_start3A = arith.constant 0 : i32
      %dma_start3A_55 = tpu.memref_slice %arg12[%run_scoped3A_36, %dma_start3A] : memref<8x128xi32, #tpu.memory_space<vmem>> -> memref<1x128xi32, #tpu.memory_space<vmem>>
      %dma_start3A_56 = tpu.memref_squeeze %dma_start3A_55 : memref<1x128xi32, #tpu.memory_space<vmem>> -> memref<128xi32, #tpu.memory_space<vmem>>
      %dma_start3A_57 = arith.constant 0 : i32
      %dma_start3A_58 = tpu.memref_slice %arg10[%run_scoped3A_35, %dma_start3A_57] : memref<8x128xi32, #tpu.memory_space<vmem>> -> memref<1x128xi32, #tpu.memory_space<vmem>>
      %dma_start3A_59 = tpu.memref_squeeze %dma_start3A_58 : memref<1x128xi32, #tpu.memory_space<vmem>> -> memref<128xi32, #tpu.memory_space<vmem>>
      %dma_start3A_60 = arith.constant 0 : i32
      %dma_start3A_61 = tpu.memref_slice %arg6[%dma_start3A_60] : memref<100000xi32, #tpu.memory_space<hbm>> -> memref<100000xi32, #tpu.memory_space<hbm>>
      tpu.enqueue_indirect_dma source(%dma_start3A_61 : memref<100000xi32, #tpu.memory_space<hbm>>) target(%dma_start3A_56 : memref<128xi32, #tpu.memory_space<vmem>>) offsets(%dma_start3A_59 : memref<128xi32, #tpu.memory_space<vmem>>) semaphore(%run_scoped3A_54 : memref<!tpu.dma_semaphore, #tpu.memory_space<semaphore_mem>>)
      %dma_wait3A = arith.constant 0 : i32
      %dma_wait3A_62 = tpu.memref_slice %arg12[%run_scoped3A_36, %dma_wait3A] : memref<8x128xi32, #tpu.memory_space<vmem>> -> memref<1x128xi32, #tpu.memory_space<vmem>>
      %dma_wait3A_63 = tpu.memref_squeeze %dma_wait3A_62 : memref<1x128xi32, #tpu.memory_space<vmem>> -> memref<128xi32, #tpu.memory_space<vmem>>
      %dma_wait3A_64 = arith.constant 0 : i32
      %dma_wait3A_65 = tpu.memref_slice %arg10[%run_scoped3A_35, %dma_wait3A_64] : memref<8x128xi32, #tpu.memory_space<vmem>> -> memref<1x128xi32, #tpu.memory_space<vmem>>
      %dma_wait3A_66 = tpu.memref_squeeze %dma_wait3A_65 : memref<1x128xi32, #tpu.memory_space<vmem>> -> memref<128xi32, #tpu.memory_space<vmem>>
      %dma_wait3A_67 = arith.constant 0 : i32
      %dma_wait3A_68 = tpu.memref_slice %arg6[%dma_wait3A_67] : memref<100000xi32, #tpu.memory_space<hbm>> -> memref<100000xi32, #tpu.memory_space<hbm>>
      tpu.wait_indirect_dma semaphore(%run_scoped3A_54 : memref<!tpu.dma_semaphore, #tpu.memory_space<semaphore_mem>>) src(%dma_wait3A_68 : memref<100000xi32, #tpu.memory_space<hbm>>) dst(%dma_wait3A_63 : memref<128xi32, #tpu.memory_space<vmem>>)
      tpu.yield
    }) : () -> ()
    %run_scoped3A_37 = arith.constant 4 : i32
    "tpu.region"() ({
      %run_scoped3A_54 = tpu.sem_alloc : memref<!tpu.dma_semaphore, #tpu.memory_space<semaphore_mem>>
      %dma_start3A = arith.constant 0 : i32
      %dma_start3A_55 = tpu.memref_slice %arg12[%run_scoped3A_37, %dma_start3A] : memref<8x128xi32, #tpu.memory_space<vmem>> -> memref<1x128xi32, #tpu.memory_space<vmem>>
      %dma_start3A_56 = tpu.memref_squeeze %dma_start3A_55 : memref<1x128xi32, #tpu.memory_space<vmem>> -> memref<128xi32, #tpu.memory_space<vmem>>
      %dma_start3A_57 = arith.constant 0 : i32
      %dma_start3A_58 = arith.constant 0 : i32
      %dma_start3A_59 = tpu.memref_slice %arg9[%dma_start3A_57, %dma_start3A_58] : memref<16384x16xf32, #tpu.memory_space<vmem_shared>> -> memref<16384x16xf32, #tpu.memory_space<vmem_shared>>
      tpu.enqueue_indirect_dma source(%arg14 : memref<128x16xf32, #tpu.memory_space<vmem>>) target(%dma_start3A_59 : memref<16384x16xf32, #tpu.memory_space<vmem_shared>>) offsets(%dma_start3A_56 : memref<128xi32, #tpu.memory_space<vmem>>) semaphore(%run_scoped3A_54 : memref<!tpu.dma_semaphore, #tpu.memory_space<semaphore_mem>>) {add = true}
      %dma_wait3A = arith.constant 0 : i32
      %dma_wait3A_60 = tpu.memref_slice %arg12[%run_scoped3A_37, %dma_wait3A] : memref<8x128xi32, #tpu.memory_space<vmem>> -> memref<1x128xi32, #tpu.memory_space<vmem>>
      %dma_wait3A_61 = tpu.memref_squeeze %dma_wait3A_60 : memref<1x128xi32, #tpu.memory_space<vmem>> -> memref<128xi32, #tpu.memory_space<vmem>>
      %dma_wait3A_62 = arith.constant 0 : i32
      %dma_wait3A_63 = arith.constant 0 : i32
      %dma_wait3A_64 = tpu.memref_slice %arg9[%dma_wait3A_62, %dma_wait3A_63] : memref<16384x16xf32, #tpu.memory_space<vmem_shared>> -> memref<16384x16xf32, #tpu.memory_space<vmem_shared>>
      tpu.wait_indirect_dma semaphore(%run_scoped3A_54 : memref<!tpu.dma_semaphore, #tpu.memory_space<semaphore_mem>>) src(%arg14 : memref<128x16xf32, #tpu.memory_space<vmem>>) dst(%dma_wait3A_64 : memref<16384x16xf32, #tpu.memory_space<vmem_shared>>)
      tpu.yield
    }) : () -> ()
    %run_scoped3A_38 = arith.constant 5 : i32
    %run_scoped3A_39 = arith.constant 5 : i32
    "tpu.region"() ({
      %run_scoped3A_54 = tpu.sem_alloc : memref<!tpu.dma_semaphore, #tpu.memory_space<semaphore_mem>>
      %dma_start3A = arith.constant 0 : i32
      %dma_start3A_55 = tpu.memref_slice %arg12[%run_scoped3A_39, %dma_start3A] : memref<8x128xi32, #tpu.memory_space<vmem>> -> memref<1x128xi32, #tpu.memory_space<vmem>>
      %dma_start3A_56 = tpu.memref_squeeze %dma_start3A_55 : memref<1x128xi32, #tpu.memory_space<vmem>> -> memref<128xi32, #tpu.memory_space<vmem>>
      %dma_start3A_57 = arith.constant 0 : i32
      %dma_start3A_58 = tpu.memref_slice %arg10[%run_scoped3A_38, %dma_start3A_57] : memref<8x128xi32, #tpu.memory_space<vmem>> -> memref<1x128xi32, #tpu.memory_space<vmem>>
      %dma_start3A_59 = tpu.memref_squeeze %dma_start3A_58 : memref<1x128xi32, #tpu.memory_space<vmem>> -> memref<128xi32, #tpu.memory_space<vmem>>
      %dma_start3A_60 = arith.constant 0 : i32
      %dma_start3A_61 = tpu.memref_slice %arg6[%dma_start3A_60] : memref<100000xi32, #tpu.memory_space<hbm>> -> memref<100000xi32, #tpu.memory_space<hbm>>
      tpu.enqueue_indirect_dma source(%dma_start3A_61 : memref<100000xi32, #tpu.memory_space<hbm>>) target(%dma_start3A_56 : memref<128xi32, #tpu.memory_space<vmem>>) offsets(%dma_start3A_59 : memref<128xi32, #tpu.memory_space<vmem>>) semaphore(%run_scoped3A_54 : memref<!tpu.dma_semaphore, #tpu.memory_space<semaphore_mem>>)
      %dma_wait3A = arith.constant 0 : i32
      %dma_wait3A_62 = tpu.memref_slice %arg12[%run_scoped3A_39, %dma_wait3A] : memref<8x128xi32, #tpu.memory_space<vmem>> -> memref<1x128xi32, #tpu.memory_space<vmem>>
      %dma_wait3A_63 = tpu.memref_squeeze %dma_wait3A_62 : memref<1x128xi32, #tpu.memory_space<vmem>> -> memref<128xi32, #tpu.memory_space<vmem>>
      %dma_wait3A_64 = arith.constant 0 : i32
      %dma_wait3A_65 = tpu.memref_slice %arg10[%run_scoped3A_38, %dma_wait3A_64] : memref<8x128xi32, #tpu.memory_space<vmem>> -> memref<1x128xi32, #tpu.memory_space<vmem>>
      %dma_wait3A_66 = tpu.memref_squeeze %dma_wait3A_65 : memref<1x128xi32, #tpu.memory_space<vmem>> -> memref<128xi32, #tpu.memory_space<vmem>>
      %dma_wait3A_67 = arith.constant 0 : i32
      %dma_wait3A_68 = tpu.memref_slice %arg6[%dma_wait3A_67] : memref<100000xi32, #tpu.memory_space<hbm>> -> memref<100000xi32, #tpu.memory_space<hbm>>
      tpu.wait_indirect_dma semaphore(%run_scoped3A_54 : memref<!tpu.dma_semaphore, #tpu.memory_space<semaphore_mem>>) src(%dma_wait3A_68 : memref<100000xi32, #tpu.memory_space<hbm>>) dst(%dma_wait3A_63 : memref<128xi32, #tpu.memory_space<vmem>>)
      tpu.yield
    }) : () -> ()
    %run_scoped3A_40 = arith.constant 5 : i32
    "tpu.region"() ({
      %run_scoped3A_54 = tpu.sem_alloc : memref<!tpu.dma_semaphore, #tpu.memory_space<semaphore_mem>>
      %dma_start3A = arith.constant 0 : i32
      %dma_start3A_55 = tpu.memref_slice %arg12[%run_scoped3A_40, %dma_start3A] : memref<8x128xi32, #tpu.memory_space<vmem>> -> memref<1x128xi32, #tpu.memory_space<vmem>>
      %dma_start3A_56 = tpu.memref_squeeze %dma_start3A_55 : memref<1x128xi32, #tpu.memory_space<vmem>> -> memref<128xi32, #tpu.memory_space<vmem>>
      %dma_start3A_57 = arith.constant 0 : i32
      %dma_start3A_58 = arith.constant 0 : i32
      %dma_start3A_59 = tpu.memref_slice %arg9[%dma_start3A_57, %dma_start3A_58] : memref<16384x16xf32, #tpu.memory_space<vmem_shared>> -> memref<16384x16xf32, #tpu.memory_space<vmem_shared>>
      tpu.enqueue_indirect_dma source(%arg14 : memref<128x16xf32, #tpu.memory_space<vmem>>) target(%dma_start3A_59 : memref<16384x16xf32, #tpu.memory_space<vmem_shared>>) offsets(%dma_start3A_56 : memref<128xi32, #tpu.memory_space<vmem>>) semaphore(%run_scoped3A_54 : memref<!tpu.dma_semaphore, #tpu.memory_space<semaphore_mem>>) {add = true}
      %dma_wait3A = arith.constant 0 : i32
      %dma_wait3A_60 = tpu.memref_slice %arg12[%run_scoped3A_40, %dma_wait3A] : memref<8x128xi32, #tpu.memory_space<vmem>> -> memref<1x128xi32, #tpu.memory_space<vmem>>
      %dma_wait3A_61 = tpu.memref_squeeze %dma_wait3A_60 : memref<1x128xi32, #tpu.memory_space<vmem>> -> memref<128xi32, #tpu.memory_space<vmem>>
      %dma_wait3A_62 = arith.constant 0 : i32
      %dma_wait3A_63 = arith.constant 0 : i32
      %dma_wait3A_64 = tpu.memref_slice %arg9[%dma_wait3A_62, %dma_wait3A_63] : memref<16384x16xf32, #tpu.memory_space<vmem_shared>> -> memref<16384x16xf32, #tpu.memory_space<vmem_shared>>
      tpu.wait_indirect_dma semaphore(%run_scoped3A_54 : memref<!tpu.dma_semaphore, #tpu.memory_space<semaphore_mem>>) src(%arg14 : memref<128x16xf32, #tpu.memory_space<vmem>>) dst(%dma_wait3A_64 : memref<16384x16xf32, #tpu.memory_space<vmem_shared>>)
      tpu.yield
    }) : () -> ()
    %run_scoped3A_41 = arith.constant 6 : i32
    %run_scoped3A_42 = arith.constant 6 : i32
    "tpu.region"() ({
      %run_scoped3A_54 = tpu.sem_alloc : memref<!tpu.dma_semaphore, #tpu.memory_space<semaphore_mem>>
      %dma_start3A = arith.constant 0 : i32
      %dma_start3A_55 = tpu.memref_slice %arg12[%run_scoped3A_42, %dma_start3A] : memref<8x128xi32, #tpu.memory_space<vmem>> -> memref<1x128xi32, #tpu.memory_space<vmem>>
      %dma_start3A_56 = tpu.memref_squeeze %dma_start3A_55 : memref<1x128xi32, #tpu.memory_space<vmem>> -> memref<128xi32, #tpu.memory_space<vmem>>
      %dma_start3A_57 = arith.constant 0 : i32
      %dma_start3A_58 = tpu.memref_slice %arg10[%run_scoped3A_41, %dma_start3A_57] : memref<8x128xi32, #tpu.memory_space<vmem>> -> memref<1x128xi32, #tpu.memory_space<vmem>>
      %dma_start3A_59 = tpu.memref_squeeze %dma_start3A_58 : memref<1x128xi32, #tpu.memory_space<vmem>> -> memref<128xi32, #tpu.memory_space<vmem>>
      %dma_start3A_60 = arith.constant 0 : i32
      %dma_start3A_61 = tpu.memref_slice %arg6[%dma_start3A_60] : memref<100000xi32, #tpu.memory_space<hbm>> -> memref<100000xi32, #tpu.memory_space<hbm>>
      tpu.enqueue_indirect_dma source(%dma_start3A_61 : memref<100000xi32, #tpu.memory_space<hbm>>) target(%dma_start3A_56 : memref<128xi32, #tpu.memory_space<vmem>>) offsets(%dma_start3A_59 : memref<128xi32, #tpu.memory_space<vmem>>) semaphore(%run_scoped3A_54 : memref<!tpu.dma_semaphore, #tpu.memory_space<semaphore_mem>>)
      %dma_wait3A = arith.constant 0 : i32
      %dma_wait3A_62 = tpu.memref_slice %arg12[%run_scoped3A_42, %dma_wait3A] : memref<8x128xi32, #tpu.memory_space<vmem>> -> memref<1x128xi32, #tpu.memory_space<vmem>>
      %dma_wait3A_63 = tpu.memref_squeeze %dma_wait3A_62 : memref<1x128xi32, #tpu.memory_space<vmem>> -> memref<128xi32, #tpu.memory_space<vmem>>
      %dma_wait3A_64 = arith.constant 0 : i32
      %dma_wait3A_65 = tpu.memref_slice %arg10[%run_scoped3A_41, %dma_wait3A_64] : memref<8x128xi32, #tpu.memory_space<vmem>> -> memref<1x128xi32, #tpu.memory_space<vmem>>
      %dma_wait3A_66 = tpu.memref_squeeze %dma_wait3A_65 : memref<1x128xi32, #tpu.memory_space<vmem>> -> memref<128xi32, #tpu.memory_space<vmem>>
      %dma_wait3A_67 = arith.constant 0 : i32
      %dma_wait3A_68 = tpu.memref_slice %arg6[%dma_wait3A_67] : memref<100000xi32, #tpu.memory_space<hbm>> -> memref<100000xi32, #tpu.memory_space<hbm>>
      tpu.wait_indirect_dma semaphore(%run_scoped3A_54 : memref<!tpu.dma_semaphore, #tpu.memory_space<semaphore_mem>>) src(%dma_wait3A_68 : memref<100000xi32, #tpu.memory_space<hbm>>) dst(%dma_wait3A_63 : memref<128xi32, #tpu.memory_space<vmem>>)
      tpu.yield
    }) : () -> ()
    %run_scoped3A_43 = arith.constant 6 : i32
    "tpu.region"() ({
      %run_scoped3A_54 = tpu.sem_alloc : memref<!tpu.dma_semaphore, #tpu.memory_space<semaphore_mem>>
      %dma_start3A = arith.constant 0 : i32
      %dma_start3A_55 = tpu.memref_slice %arg12[%run_scoped3A_43, %dma_start3A] : memref<8x128xi32, #tpu.memory_space<vmem>> -> memref<1x128xi32, #tpu.memory_space<vmem>>
      %dma_start3A_56 = tpu.memref_squeeze %dma_start3A_55 : memref<1x128xi32, #tpu.memory_space<vmem>> -> memref<128xi32, #tpu.memory_space<vmem>>
      %dma_start3A_57 = arith.constant 0 : i32
      %dma_start3A_58 = arith.constant 0 : i32
      %dma_start3A_59 = tpu.memref_slice %arg9[%dma_start3A_57, %dma_start3A_58] : memref<16384x16xf32, #tpu.memory_space<vmem_shared>> -> memref<16384x16xf32, #tpu.memory_space<vmem_shared>>
      tpu.enqueue_indirect_dma source(%arg14 : memref<128x16xf32, #tpu.memory_space<vmem>>) target(%dma_start3A_59 : memref<16384x16xf32, #tpu.memory_space<vmem_shared>>) offsets(%dma_start3A_56 : memref<128xi32, #tpu.memory_space<vmem>>) semaphore(%run_scoped3A_54 : memref<!tpu.dma_semaphore, #tpu.memory_space<semaphore_mem>>) {add = true}
      %dma_wait3A = arith.constant 0 : i32
      %dma_wait3A_60 = tpu.memref_slice %arg12[%run_scoped3A_43, %dma_wait3A] : memref<8x128xi32, #tpu.memory_space<vmem>> -> memref<1x128xi32, #tpu.memory_space<vmem>>
      %dma_wait3A_61 = tpu.memref_squeeze %dma_wait3A_60 : memref<1x128xi32, #tpu.memory_space<vmem>> -> memref<128xi32, #tpu.memory_space<vmem>>
      %dma_wait3A_62 = arith.constant 0 : i32
      %dma_wait3A_63 = arith.constant 0 : i32
      %dma_wait3A_64 = tpu.memref_slice %arg9[%dma_wait3A_62, %dma_wait3A_63] : memref<16384x16xf32, #tpu.memory_space<vmem_shared>> -> memref<16384x16xf32, #tpu.memory_space<vmem_shared>>
      tpu.wait_indirect_dma semaphore(%run_scoped3A_54 : memref<!tpu.dma_semaphore, #tpu.memory_space<semaphore_mem>>) src(%arg14 : memref<128x16xf32, #tpu.memory_space<vmem>>) dst(%dma_wait3A_64 : memref<16384x16xf32, #tpu.memory_space<vmem_shared>>)
      tpu.yield
    }) : () -> ()
    %run_scoped3A_44 = arith.constant 7 : i32
    %run_scoped3A_45 = arith.constant 7 : i32
    "tpu.region"() ({
      %run_scoped3A_54 = tpu.sem_alloc : memref<!tpu.dma_semaphore, #tpu.memory_space<semaphore_mem>>
      %dma_start3A = arith.constant 0 : i32
      %dma_start3A_55 = tpu.memref_slice %arg12[%run_scoped3A_45, %dma_start3A] : memref<8x128xi32, #tpu.memory_space<vmem>> -> memref<1x128xi32, #tpu.memory_space<vmem>>
      %dma_start3A_56 = tpu.memref_squeeze %dma_start3A_55 : memref<1x128xi32, #tpu.memory_space<vmem>> -> memref<128xi32, #tpu.memory_space<vmem>>
      %dma_start3A_57 = arith.constant 0 : i32
      %dma_start3A_58 = tpu.memref_slice %arg10[%run_scoped3A_44, %dma_start3A_57] : memref<8x128xi32, #tpu.memory_space<vmem>> -> memref<1x128xi32, #tpu.memory_space<vmem>>
      %dma_start3A_59 = tpu.memref_squeeze %dma_start3A_58 : memref<1x128xi32, #tpu.memory_space<vmem>> -> memref<128xi32, #tpu.memory_space<vmem>>
      %dma_start3A_60 = arith.constant 0 : i32
      %dma_start3A_61 = tpu.memref_slice %arg6[%dma_start3A_60] : memref<100000xi32, #tpu.memory_space<hbm>> -> memref<100000xi32, #tpu.memory_space<hbm>>
      tpu.enqueue_indirect_dma source(%dma_start3A_61 : memref<100000xi32, #tpu.memory_space<hbm>>) target(%dma_start3A_56 : memref<128xi32, #tpu.memory_space<vmem>>) offsets(%dma_start3A_59 : memref<128xi32, #tpu.memory_space<vmem>>) semaphore(%run_scoped3A_54 : memref<!tpu.dma_semaphore, #tpu.memory_space<semaphore_mem>>)
      %dma_wait3A = arith.constant 0 : i32
      %dma_wait3A_62 = tpu.memref_slice %arg12[%run_scoped3A_45, %dma_wait3A] : memref<8x128xi32, #tpu.memory_space<vmem>> -> memref<1x128xi32, #tpu.memory_space<vmem>>
      %dma_wait3A_63 = tpu.memref_squeeze %dma_wait3A_62 : memref<1x128xi32, #tpu.memory_space<vmem>> -> memref<128xi32, #tpu.memory_space<vmem>>
      %dma_wait3A_64 = arith.constant 0 : i32
      %dma_wait3A_65 = tpu.memref_slice %arg10[%run_scoped3A_44, %dma_wait3A_64] : memref<8x128xi32, #tpu.memory_space<vmem>> -> memref<1x128xi32, #tpu.memory_space<vmem>>
      %dma_wait3A_66 = tpu.memref_squeeze %dma_wait3A_65 : memref<1x128xi32, #tpu.memory_space<vmem>> -> memref<128xi32, #tpu.memory_space<vmem>>
      %dma_wait3A_67 = arith.constant 0 : i32
      %dma_wait3A_68 = tpu.memref_slice %arg6[%dma_wait3A_67] : memref<100000xi32, #tpu.memory_space<hbm>> -> memref<100000xi32, #tpu.memory_space<hbm>>
      tpu.wait_indirect_dma semaphore(%run_scoped3A_54 : memref<!tpu.dma_semaphore, #tpu.memory_space<semaphore_mem>>) src(%dma_wait3A_68 : memref<100000xi32, #tpu.memory_space<hbm>>) dst(%dma_wait3A_63 : memref<128xi32, #tpu.memory_space<vmem>>)
      tpu.yield
    }) : () -> ()
    %run_scoped3A_46 = arith.constant 7 : i32
    "tpu.region"() ({
      %run_scoped3A_54 = tpu.sem_alloc : memref<!tpu.dma_semaphore, #tpu.memory_space<semaphore_mem>>
      %dma_start3A = arith.constant 0 : i32
      %dma_start3A_55 = tpu.memref_slice %arg12[%run_scoped3A_46, %dma_start3A] : memref<8x128xi32, #tpu.memory_space<vmem>> -> memref<1x128xi32, #tpu.memory_space<vmem>>
      %dma_start3A_56 = tpu.memref_squeeze %dma_start3A_55 : memref<1x128xi32, #tpu.memory_space<vmem>> -> memref<128xi32, #tpu.memory_space<vmem>>
      %dma_start3A_57 = arith.constant 0 : i32
      %dma_start3A_58 = arith.constant 0 : i32
      %dma_start3A_59 = tpu.memref_slice %arg9[%dma_start3A_57, %dma_start3A_58] : memref<16384x16xf32, #tpu.memory_space<vmem_shared>> -> memref<16384x16xf32, #tpu.memory_space<vmem_shared>>
      tpu.enqueue_indirect_dma source(%arg14 : memref<128x16xf32, #tpu.memory_space<vmem>>) target(%dma_start3A_59 : memref<16384x16xf32, #tpu.memory_space<vmem_shared>>) offsets(%dma_start3A_56 : memref<128xi32, #tpu.memory_space<vmem>>) semaphore(%run_scoped3A_54 : memref<!tpu.dma_semaphore, #tpu.memory_space<semaphore_mem>>) {add = true}
      %dma_wait3A = arith.constant 0 : i32
      %dma_wait3A_60 = tpu.memref_slice %arg12[%run_scoped3A_46, %dma_wait3A] : memref<8x128xi32, #tpu.memory_space<vmem>> -> memref<1x128xi32, #tpu.memory_space<vmem>>
      %dma_wait3A_61 = tpu.memref_squeeze %dma_wait3A_60 : memref<1x128xi32, #tpu.memory_space<vmem>> -> memref<128xi32, #tpu.memory_space<vmem>>
      %dma_wait3A_62 = arith.constant 0 : i32
      %dma_wait3A_63 = arith.constant 0 : i32
      %dma_wait3A_64 = tpu.memref_slice %arg9[%dma_wait3A_62, %dma_wait3A_63] : memref<16384x16xf32, #tpu.memory_space<vmem_shared>> -> memref<16384x16xf32, #tpu.memory_space<vmem_shared>>
      tpu.wait_indirect_dma semaphore(%run_scoped3A_54 : memref<!tpu.dma_semaphore, #tpu.memory_space<semaphore_mem>>) src(%arg14 : memref<128x16xf32, #tpu.memory_space<vmem>>) dst(%dma_wait3A_64 : memref<16384x16xf32, #tpu.memory_space<vmem_shared>>)
      tpu.yield
    }) : () -> ()
    %mul3A_47 = arith.constant 8 : i32
    %mul3A_48 = arith.muli %arg1, %mul3A_47 : i32
    "tpu.region"() ({
      %run_scoped3A_54 = tpu.sem_alloc : memref<!tpu.dma_semaphore, #tpu.memory_space<semaphore_mem>>
      %dma_start3A = arith.constant 0 : i32
      %dma_start3A_55 = tpu.memref_slice %arg7[%mul3A_48, %dma_start3A] : memref<128x128xi32, #tpu.memory_space<hbm>> -> memref<8x128xi32, #tpu.memory_space<hbm>>
      %dma_start3A_56 = arith.constant 0 : i32
      %dma_start3A_57 = tpu.memref_slice %arg7[%mul3A_48, %dma_start3A_56] : memref<128x128xi32, #tpu.memory_space<hbm>> -> memref<8x128xi32, #tpu.memory_space<hbm>>
      tpu.enqueue_dma source(%arg12 : memref<8x128xi32, #tpu.memory_space<vmem>>) target(%dma_start3A_57 : memref<8x128xi32, #tpu.memory_space<hbm>>) target_semaphore(%run_scoped3A_54 : memref<!tpu.dma_semaphore, #tpu.memory_space<semaphore_mem>>)
      %dma_wait3A = arith.constant 0 : i32
      %dma_wait3A_58 = tpu.memref_slice %arg7[%mul3A_48, %dma_wait3A] : memref<128x128xi32, #tpu.memory_space<hbm>> -> memref<8x128xi32, #tpu.memory_space<hbm>>
      %dma_wait3A_59 = arith.constant 0 : i32
      %dma_wait3A_60 = tpu.memref_slice %arg7[%mul3A_48, %dma_wait3A_59] : memref<128x128xi32, #tpu.memory_space<hbm>> -> memref<8x128xi32, #tpu.memory_space<hbm>>
      tpu.wait_dma2 semaphore(%run_scoped3A_54 : memref<!tpu.dma_semaphore, #tpu.memory_space<semaphore_mem>>) src(%arg12 : memref<8x128xi32, #tpu.memory_space<vmem>>) dst(%dma_wait3A_60 : memref<8x128xi32, #tpu.memory_space<hbm>>)
      tpu.yield
    }) : () -> ()
    %barrier3A_49 = arith.constant 0 : index
    tpu.barrier barrier_id(%barrier3A_49)
    %add3A_50 = arith.constant 0 : i32
    %add3A_51 = arith.addi %mul3A_0, %add3A_50 : i32
    "tpu.region"() ({
      %run_scoped3A_54 = tpu.sem_alloc : memref<!tpu.dma_semaphore, #tpu.memory_space<semaphore_mem>>
      %dma_start3A = arith.constant 0 : i32
      %dma_start3A_55 = tpu.memref_slice %arg9[%add3A_51, %dma_start3A] : memref<16384x16xf32, #tpu.memory_space<vmem_shared>> -> memref<512x16xf32, #tpu.memory_space<vmem_shared>>
      %dma_start3A_56 = arith.constant 0 : i32
      %dma_start3A_57 = tpu.memref_slice %arg9[%add3A_51, %dma_start3A_56] : memref<16384x16xf32, #tpu.memory_space<vmem_shared>> -> memref<512x16xf32, #tpu.memory_space<vmem_shared>>
      tpu.enqueue_dma source(%dma_start3A_57 : memref<512x16xf32, #tpu.memory_space<vmem_shared>>) target(%arg13 : memref<512x16xf32, #tpu.memory_space<vmem>>) target_semaphore(%run_scoped3A_54 : memref<!tpu.dma_semaphore, #tpu.memory_space<semaphore_mem>>)
      %dma_wait3A = arith.constant 0 : i32
      %dma_wait3A_58 = tpu.memref_slice %arg9[%add3A_51, %dma_wait3A] : memref<16384x16xf32, #tpu.memory_space<vmem_shared>> -> memref<512x16xf32, #tpu.memory_space<vmem_shared>>
      %dma_wait3A_59 = arith.constant 0 : i32
      %dma_wait3A_60 = tpu.memref_slice %arg9[%add3A_51, %dma_wait3A_59] : memref<16384x16xf32, #tpu.memory_space<vmem_shared>> -> memref<512x16xf32, #tpu.memory_space<vmem_shared>>
      tpu.wait_dma2 semaphore(%run_scoped3A_54 : memref<!tpu.dma_semaphore, #tpu.memory_space<semaphore_mem>>) src(%dma_wait3A_60 : memref<512x16xf32, #tpu.memory_space<vmem_shared>>) dst(%arg13 : memref<512x16xf32, #tpu.memory_space<vmem>>)
      tpu.yield
    }) : () -> ()
    "tpu.region"() ({
      %run_scoped3A_54 = tpu.sem_alloc : memref<!tpu.dma_semaphore, #tpu.memory_space<semaphore_mem>>
      %dma_start3A = arith.constant 0 : i32
      %dma_start3A_55 = tpu.memref_slice %arg8[%add3A_51, %dma_start3A] : memref<16384x16xf32, #tpu.memory_space<hbm>> -> memref<512x16xf32, #tpu.memory_space<hbm>>
      %dma_start3A_56 = arith.constant 0 : i32
      %dma_start3A_57 = tpu.memref_slice %arg8[%add3A_51, %dma_start3A_56] : memref<16384x16xf32, #tpu.memory_space<hbm>> -> memref<512x16xf32, #tpu.memory_space<hbm>>
      tpu.enqueue_dma source(%arg13 : memref<512x16xf32, #tpu.memory_space<vmem>>) target(%dma_start3A_57 : memref<512x16xf32, #tpu.memory_space<hbm>>) target_semaphore(%run_scoped3A_54 : memref<!tpu.dma_semaphore, #tpu.memory_space<semaphore_mem>>)
      %dma_wait3A = arith.constant 0 : i32
      %dma_wait3A_58 = tpu.memref_slice %arg8[%add3A_51, %dma_wait3A] : memref<16384x16xf32, #tpu.memory_space<hbm>> -> memref<512x16xf32, #tpu.memory_space<hbm>>
      %dma_wait3A_59 = arith.constant 0 : i32
      %dma_wait3A_60 = tpu.memref_slice %arg8[%add3A_51, %dma_wait3A_59] : memref<16384x16xf32, #tpu.memory_space<hbm>> -> memref<512x16xf32, #tpu.memory_space<hbm>>
      tpu.wait_dma2 semaphore(%run_scoped3A_54 : memref<!tpu.dma_semaphore, #tpu.memory_space<semaphore_mem>>) src(%arg13 : memref<512x16xf32, #tpu.memory_space<vmem>>) dst(%dma_wait3A_60 : memref<512x16xf32, #tpu.memory_space<hbm>>)
      tpu.yield
    }) : () -> ()
    %add3A_52 = arith.constant 512 : i32
    %add3A_53 = arith.addi %mul3A_0, %add3A_52 : i32
    "tpu.region"() ({
      %run_scoped3A_54 = tpu.sem_alloc : memref<!tpu.dma_semaphore, #tpu.memory_space<semaphore_mem>>
      %dma_start3A = arith.constant 0 : i32
      %dma_start3A_55 = tpu.memref_slice %arg9[%add3A_53, %dma_start3A] : memref<16384x16xf32, #tpu.memory_space<vmem_shared>> -> memref<512x16xf32, #tpu.memory_space<vmem_shared>>
      %dma_start3A_56 = arith.constant 0 : i32
      %dma_start3A_57 = tpu.memref_slice %arg9[%add3A_53, %dma_start3A_56] : memref<16384x16xf32, #tpu.memory_space<vmem_shared>> -> memref<512x16xf32, #tpu.memory_space<vmem_shared>>
      tpu.enqueue_dma source(%dma_start3A_57 : memref<512x16xf32, #tpu.memory_space<vmem_shared>>) target(%arg13 : memref<512x16xf32, #tpu.memory_space<vmem>>) target_semaphore(%run_scoped3A_54 : memref<!tpu.dma_semaphore, #tpu.memory_space<semaphore_mem>>)
      %dma_wait3A = arith.constant 0 : i32
      %dma_wait3A_58 = tpu.memref_slice %arg9[%add3A_53, %dma_wait3A] : memref<16384x16xf32, #tpu.memory_space<vmem_shared>> -> memref<512x16xf32, #tpu.memory_space<vmem_shared>>
      %dma_wait3A_59 = arith.constant 0 : i32
      %dma_wait3A_60 = tpu.memref_slice %arg9[%add3A_53, %dma_wait3A_59] : memref<16384x16xf32, #tpu.memory_space<vmem_shared>> -> memref<512x16xf32, #tpu.memory_space<vmem_shared>>
      tpu.wait_dma2 semaphore(%run_scoped3A_54 : memref<!tpu.dma_semaphore, #tpu.memory_space<semaphore_mem>>) src(%dma_wait3A_60 : memref<512x16xf32, #tpu.memory_space<vmem_shared>>) dst(%arg13 : memref<512x16xf32, #tpu.memory_space<vmem>>)
      tpu.yield
    }) : () -> ()
    "tpu.region"() ({
      %run_scoped3A_54 = tpu.sem_alloc : memref<!tpu.dma_semaphore, #tpu.memory_space<semaphore_mem>>
      %dma_start3A = arith.constant 0 : i32
      %dma_start3A_55 = tpu.memref_slice %arg8[%add3A_53, %dma_start3A] : memref<16384x16xf32, #tpu.memory_space<hbm>> -> memref<512x16xf32, #tpu.memory_space<hbm>>
      %dma_start3A_56 = arith.constant 0 : i32
      %dma_start3A_57 = tpu.memref_slice %arg8[%add3A_53, %dma_start3A_56] : memref<16384x16xf32, #tpu.memory_space<hbm>> -> memref<512x16xf32, #tpu.memory_space<hbm>>
      tpu.enqueue_dma source(%arg13 : memref<512x16xf32, #tpu.memory_space<vmem>>) target(%dma_start3A_57 : memref<512x16xf32, #tpu.memory_space<hbm>>) target_semaphore(%run_scoped3A_54 : memref<!tpu.dma_semaphore, #tpu.memory_space<semaphore_mem>>)
      %dma_wait3A = arith.constant 0 : i32
      %dma_wait3A_58 = tpu.memref_slice %arg8[%add3A_53, %dma_wait3A] : memref<16384x16xf32, #tpu.memory_space<hbm>> -> memref<512x16xf32, #tpu.memory_space<hbm>>
      %dma_wait3A_59 = arith.constant 0 : i32
      %dma_wait3A_60 = tpu.memref_slice %arg8[%add3A_53, %dma_wait3A_59] : memref<16384x16xf32, #tpu.memory_space<hbm>> -> memref<512x16xf32, #tpu.memory_space<hbm>>
      tpu.wait_dma2 semaphore(%run_scoped3A_54 : memref<!tpu.dma_semaphore, #tpu.memory_space<semaphore_mem>>) src(%arg13 : memref<512x16xf32, #tpu.memory_space<vmem>>) dst(%dma_wait3A_60 : memref<512x16xf32, #tpu.memory_space<hbm>>)
      tpu.yield
    }) : () -> ()
    return
  }
}

module attributes {stable_mosaic.version = 14 : i64} {
  func.func @_tc_body(%arg0: i32, %arg1: memref<1024x32xf32, #tpu.memory_space<vmem>>, %arg2: memref<1024x32xf32, #tpu.memory_space<vmem>>, %arg3: memref<1024x16xf32, #tpu.memory_space<vmem>>, %arg4: memref<1024x128xf32, #tpu.memory_space<vmem>>, %arg5: memref<8x128xf32, #tpu.memory_space<vmem>>) attributes {dimension_semantics = [#tpu.dimension_semantics<arbitrary>], iteration_bounds = array<i64: 16>, scalar_prefetch = 0 : i64, scratch_operands = 0 : i64, tpu.core_type = #tpu.core_type<tc>, window_params = [{transform_indices = @transform_0, window_bounds = array<i64: 1024, 32>}, {transform_indices = @transform_1, window_bounds = array<i64: 1024, 32>}, {transform_indices = @transform_2, window_bounds = array<i64: 1024, 16>}, {transform_indices = @transform_3, window_bounds = array<i64: 1024, 128>}, {pipeline_mode = #tpu.pipeline_mode<synchronous>, transform_indices = @transform_4, window_bounds = array<i64: 8, 128>}]} {
    %get3A = arith.constant 0 : index
    %get3A_0 = arith.constant 0 : index
    %get3A_1 = vector.load %arg3[%get3A, %get3A_0] : memref<1024x16xf32, #tpu.memory_space<vmem>>, vector<1024x1xf32>
    %gt3A = arith.constant 0.000000e+00 : f32
    %gt3A_2 = vector.broadcast %gt3A : f32 to vector<1024x1xf32>
    %gt3A_3 = arith.cmpf ogt, %get3A_1, %gt3A_2 : vector<1024x1xf32>
    %jit3A = arith.constant 1.000000e+00 : f32
    %broadcast_in_dim3A = vector.broadcast %jit3A : f32 to vector<1024x1xf32>
    %select_n3A = arith.select %gt3A_3, %get3A_1, %broadcast_in_dim3A : vector<1024x1xi1>, vector<1024x1xf32>
    %div3A = arith.constant 1.000000e-01 : f32
    %div3A_4 = vector.broadcast %div3A : f32 to vector<1024x1xf32>
    %div3A_5 = arith.divf %div3A_4, %select_n3A : vector<1024x1xf32>
    %get3A_6 = arith.constant 0 : index
    %get3A_7 = arith.constant 0 : index
    %get3A_8 = vector.load %arg4[%get3A_6, %get3A_7] : memref<1024x128xf32, #tpu.memory_space<vmem>>, vector<1024x32xf32>
    %mul3A = arith.constant 0.899999976 : f32
    %mul3A_9 = vector.broadcast %mul3A : f32 to vector<1024x32xf32>
    %mul3A_10 = arith.mulf %mul3A_9, %get3A_8 : vector<1024x32xf32>
    %get3A_11 = arith.constant 0 : index
    %get3A_12 = arith.constant 0 : index
    %get3A_13 = vector.load %arg1[%get3A_11, %get3A_12] : memref<1024x32xf32, #tpu.memory_space<vmem>>, vector<1024x32xf32>
    %mul3A_14 = vector.broadcast %div3A_5 : vector<1024x1xf32> to vector<1024x32xf32>
    %mul3A_15 = arith.mulf %mul3A_14, %get3A_13 : vector<1024x32xf32>
    %add3A = arith.addf %mul3A_10, %mul3A_15 : vector<1024x32xf32>
    %get3A_16 = arith.constant 0 : index
    %get3A_17 = arith.constant 32 : index
    %get3A_18 = vector.load %arg4[%get3A_16, %get3A_17] : memref<1024x128xf32, #tpu.memory_space<vmem>>, vector<1024x32xf32>
    %mul3A_19 = arith.constant 0.899999976 : f32
    %mul3A_20 = vector.broadcast %mul3A_19 : f32 to vector<1024x32xf32>
    %mul3A_21 = arith.mulf %mul3A_20, %get3A_18 : vector<1024x32xf32>
    %get3A_22 = arith.constant 0 : index
    %get3A_23 = arith.constant 0 : index
    %get3A_24 = vector.load %arg2[%get3A_22, %get3A_23] : memref<1024x32xf32, #tpu.memory_space<vmem>>, vector<1024x32xf32>
    %mul3A_25 = vector.broadcast %div3A_5 : vector<1024x1xf32> to vector<1024x32xf32>
    %mul3A_26 = arith.mulf %mul3A_25, %get3A_24 : vector<1024x32xf32>
    %add3A_27 = arith.addf %mul3A_21, %mul3A_26 : vector<1024x32xf32>
    %get3A_28 = arith.constant 0 : index
    %get3A_29 = arith.constant 64 : index
    %get3A_30 = vector.load %arg4[%get3A_28, %get3A_29] : memref<1024x128xf32, #tpu.memory_space<vmem>>, vector<1024x32xf32>
    %get3A_31 = arith.constant 0 : index
    %get3A_32 = arith.constant 96 : index
    %get3A_33 = vector.load %arg4[%get3A_31, %get3A_32] : memref<1024x128xf32, #tpu.memory_space<vmem>>, vector<1024x32xf32>
    %mul3A_34 = arith.mulf %add3A, %add3A : vector<1024x32xf32>
    %mul3A_35 = arith.mulf %add3A_27, %add3A_27 : vector<1024x32xf32>
    %add3A_36 = arith.addf %mul3A_34, %mul3A_35 : vector<1024x32xf32>
    %reduce_sum3A = arith.constant dense<0.000000e+00> : vector<1024xf32>
    %reduce_sum3A_37 = vector.multi_reduction <add>, %add3A_36, %reduce_sum3A [1] : vector<1024x32xf32> to vector<1024xf32>
    %broadcast_in_dim3A_38 = vector.shape_cast %reduce_sum3A_37 : vector<1024xf32> to vector<1024x1xf32>
    %mul3A_39 = arith.mulf %add3A, %get3A_30 : vector<1024x32xf32>
    %mul3A_40 = arith.mulf %add3A_27, %get3A_33 : vector<1024x32xf32>
    %add3A_41 = arith.addf %mul3A_39, %mul3A_40 : vector<1024x32xf32>
    %reduce_sum3A_42 = arith.constant dense<0.000000e+00> : vector<1024xf32>
    %reduce_sum3A_43 = vector.multi_reduction <add>, %add3A_41, %reduce_sum3A_42 [1] : vector<1024x32xf32> to vector<1024xf32>
    %broadcast_in_dim3A_44 = vector.shape_cast %reduce_sum3A_43 : vector<1024xf32> to vector<1024x1xf32>
    %mul3A_45 = arith.mulf %get3A_30, %get3A_30 : vector<1024x32xf32>
    %mul3A_46 = arith.mulf %get3A_33, %get3A_33 : vector<1024x32xf32>
    %add3A_47 = arith.addf %mul3A_45, %mul3A_46 : vector<1024x32xf32>
    %reduce_sum3A_48 = arith.constant dense<0.000000e+00> : vector<1024xf32>
    %reduce_sum3A_49 = vector.multi_reduction <add>, %add3A_47, %reduce_sum3A_48 [1] : vector<1024x32xf32> to vector<1024xf32>
    %broadcast_in_dim3A_50 = vector.shape_cast %reduce_sum3A_49 : vector<1024xf32> to vector<1024x1xf32>
    %mul3A_51 = arith.constant 2.000000e+00 : f32
    %mul3A_52 = vector.broadcast %mul3A_51 : f32 to vector<1024x1xf32>
    %mul3A_53 = arith.mulf %mul3A_52, %broadcast_in_dim3A_44 : vector<1024x1xf32>
    %rsqrt3A = math.rsqrt %broadcast_in_dim3A_38 : vector<1024x1xf32>
    %mul3A_54 = arith.mulf %mul3A_53, %rsqrt3A : vector<1024x1xf32>
    %sub3A = arith.constant 1.000000e+00 : f32
    %sub3A_55 = vector.broadcast %sub3A : f32 to vector<1024x1xf32>
    %sub3A_56 = arith.subf %sub3A_55, %mul3A_54 : vector<1024x1xf32>
    %add3A_57 = arith.addf %sub3A_56, %broadcast_in_dim3A_50 : vector<1024x1xf32>
    %jit3A_58 = arith.constant 0.000000e+00 : f32
    %broadcast_in_dim3A_59 = vector.broadcast %jit3A_58 : f32 to vector<1024x1xf32>
    %select_n3A_60 = arith.select %gt3A_3, %add3A_57, %broadcast_in_dim3A_59 : vector<1024x1xi1>, vector<1024x1xf32>
    %reduce_sum3A_61 = vector.shape_cast %select_n3A_60 : vector<1024x1xf32> to vector<1x1024x1xf32>
    %reduce_sum3A_62 = arith.constant dense<0.000000e+00> : vector<1xf32>
    %reduce_sum3A_63 = vector.multi_reduction <add>, %reduce_sum3A_61, %reduce_sum3A_62 [1, 2] : vector<1x1024x1xf32> to vector<1xf32>
    %reduce_sum3A_64 = vector.shape_cast %reduce_sum3A_63 : vector<1xf32> to vector<1x1x1xf32>
    %reduce_sum3A_65 = vector.extract %reduce_sum3A_64[0, 0, 0] : f32 from vector<1x1x1xf32>
    %convert_element_type3A = arith.extui %gt3A_3 : vector<1024x1xi1> to vector<1024x1xi32>
    %convert_element_type3A_66 = arith.sitofp %convert_element_type3A : vector<1024x1xi32> to vector<1024x1xf32>
    %reduce_sum3A_67 = vector.shape_cast %convert_element_type3A_66 : vector<1024x1xf32> to vector<1x1024x1xf32>
    %reduce_sum3A_68 = arith.constant dense<0.000000e+00> : vector<1xf32>
    %reduce_sum3A_69 = vector.multi_reduction <add>, %reduce_sum3A_67, %reduce_sum3A_68 [1, 2] : vector<1x1024x1xf32> to vector<1xf32>
    %reduce_sum3A_70 = vector.shape_cast %reduce_sum3A_69 : vector<1xf32> to vector<1x1x1xf32>
    %reduce_sum3A_71 = vector.extract %reduce_sum3A_70[0, 0, 0] : f32 from vector<1x1x1xf32>
    %iota3A = tpu.iota {dimensions = array<i32: 0>} : vector<8x128xi32>
    %eq3A = arith.constant 0 : i32
    %eq3A_72 = vector.broadcast %eq3A : i32 to vector<8x128xi32>
    %eq3A_73 = arith.cmpi eq, %iota3A, %eq3A_72 : vector<8x128xi32>
    %iota3A_74 = tpu.iota {dimensions = array<i32: 1>} : vector<8x128xi32>
    %eq3A_75 = arith.constant 0 : i32
    %eq3A_76 = vector.broadcast %eq3A_75 : i32 to vector<8x128xi32>
    %eq3A_77 = arith.cmpi eq, %iota3A_74, %eq3A_76 : vector<8x128xi32>
    %and3A = arith.andi %eq3A_73, %eq3A_77 : vector<8x128xi1>
    %jit3A_78 = arith.constant 0.000000e+00 : f32
    %broadcast_in_dim3A_79 = vector.broadcast %reduce_sum3A_65 : f32 to vector<8x128xf32>
    %broadcast_in_dim3A_80 = vector.broadcast %jit3A_78 : f32 to vector<8x128xf32>
    %select_n3A_81 = arith.select %and3A, %broadcast_in_dim3A_79, %broadcast_in_dim3A_80 : vector<8x128xi1>, vector<8x128xf32>
    %eq3A_82 = arith.constant 1 : i32
    %eq3A_83 = vector.broadcast %eq3A_82 : i32 to vector<8x128xi32>
    %eq3A_84 = arith.cmpi eq, %iota3A_74, %eq3A_83 : vector<8x128xi32>
    %and3A_85 = arith.andi %eq3A_73, %eq3A_84 : vector<8x128xi1>
    %jit3A_86 = arith.constant 0.000000e+00 : f32
    %broadcast_in_dim3A_87 = vector.broadcast %reduce_sum3A_71 : f32 to vector<8x128xf32>
    %broadcast_in_dim3A_88 = vector.broadcast %jit3A_86 : f32 to vector<8x128xf32>
    %select_n3A_89 = arith.select %and3A_85, %broadcast_in_dim3A_87, %broadcast_in_dim3A_88 : vector<8x128xi1>, vector<8x128xf32>
    %add3A_90 = arith.addf %select_n3A_81, %select_n3A_89 : vector<8x128xf32>
    %eq3A_91 = arith.constant 0 : i32
    %eq3A_92 = arith.cmpi eq, %arg0, %eq3A_91 : i32
    %convert_element_type3A_93 = arith.extui %eq3A_92 : i1 to i32
    %cond3A = arith.constant 0 : i32
    %cond3A_94 = arith.cmpi ne, %convert_element_type3A_93, %cond3A : i32
    scf.if %cond3A_94 {
      %broadcast_in_dim3A_106 = arith.constant 0.000000e+00 : f32
      %broadcast_in_dim3A_107 = vector.broadcast %broadcast_in_dim3A_106 : f32 to vector<8x128xf32>
      %swap3A_108 = arith.constant 0 : index
      %swap3A_109 = arith.constant 0 : index
      %swap3A_110 = vector.load %arg5[%swap3A_108, %swap3A_109] : memref<8x128xf32, #tpu.memory_space<vmem>>, vector<8x128xf32>
      tpu.vector_store %arg5[%swap3A_108, %swap3A_109], %broadcast_in_dim3A_107 {strides = array<i32>} : memref<8x128xf32, #tpu.memory_space<vmem>>, vector<8x128xf32>,
    } else {
    }
    %get3A_95 = arith.constant 0 : index
    %get3A_96 = arith.constant 0 : index
    %get3A_97 = vector.load %arg5[%get3A_95, %get3A_96] : memref<8x128xf32, #tpu.memory_space<vmem>>, vector<8x128xf32>
    %add3A_98 = arith.addf %get3A_97, %add3A_90 : vector<8x128xf32>
    %swap3A = arith.constant 0 : index
    %swap3A_99 = arith.constant 0 : index
    %swap3A_100 = vector.load %arg5[%swap3A, %swap3A_99] : memref<8x128xf32, #tpu.memory_space<vmem>>, vector<8x128xf32>
    tpu.vector_store %arg5[%swap3A, %swap3A_99], %add3A_98 {strides = array<i32>} : memref<8x128xf32, #tpu.memory_space<vmem>>, vector<8x128xf32>,
    %eq3A_101 = arith.constant 15 : i32
    %eq3A_102 = arith.cmpi eq, %arg0, %eq3A_101 : i32
    %convert_element_type3A_103 = arith.extui %eq3A_102 : i1 to i32
    %cond3A_104 = arith.constant 0 : i32
    %cond3A_105 = arith.cmpi ne, %convert_element_type3A_103, %cond3A_104 : i32
    scf.if %cond3A_105 {
      %get3A_106 = arith.constant 0 : index
      %get3A_107 = arith.constant 0 : index
      %get3A_108 = vector.load %arg5[%get3A_106, %get3A_107] : memref<8x128xf32, #tpu.memory_space<vmem>>, vector<8x128xf32>
      %eq3A_109 = arith.constant 0 : i32
      %eq3A_110 = vector.broadcast %eq3A_109 : i32 to vector<8x128xi32>
      %eq3A_111 = arith.cmpi eq, %iota3A_74, %eq3A_110 : vector<8x128xi32>
      %and3A_112 = arith.andi %eq3A_73, %eq3A_111 : vector<8x128xi1>
      %jit3A_113 = arith.constant 0.000000e+00 : f32
      %broadcast_in_dim3A_114 = vector.broadcast %jit3A_113 : f32 to vector<8x128xf32>
      %select_n3A_115 = arith.select %and3A_112, %get3A_108, %broadcast_in_dim3A_114 : vector<8x128xi1>, vector<8x128xf32>
      %reduce_sum3A_116 = vector.shape_cast %select_n3A_115 : vector<8x128xf32> to vector<1x8x128xf32>
      %reduce_sum3A_117 = arith.constant dense<0.000000e+00> : vector<1xf32>
      %reduce_sum3A_118 = vector.multi_reduction <add>, %reduce_sum3A_116, %reduce_sum3A_117 [1, 2] : vector<1x8x128xf32> to vector<1xf32>
      %reduce_sum3A_119 = vector.shape_cast %reduce_sum3A_118 : vector<1xf32> to vector<1x1x1xf32>
      %reduce_sum3A_120 = vector.extract %reduce_sum3A_119[0, 0, 0] : f32 from vector<1x1x1xf32>
      %eq3A_121 = arith.constant 1 : i32
      %eq3A_122 = vector.broadcast %eq3A_121 : i32 to vector<8x128xi32>
      %eq3A_123 = arith.cmpi eq, %iota3A_74, %eq3A_122 : vector<8x128xi32>
      %and3A_124 = arith.andi %eq3A_73, %eq3A_123 : vector<8x128xi1>
      %jit3A_125 = arith.constant 0.000000e+00 : f32
      %broadcast_in_dim3A_126 = vector.broadcast %jit3A_125 : f32 to vector<8x128xf32>
      %select_n3A_127 = arith.select %and3A_124, %get3A_108, %broadcast_in_dim3A_126 : vector<8x128xi1>, vector<8x128xf32>
      %reduce_sum3A_128 = vector.shape_cast %select_n3A_127 : vector<8x128xf32> to vector<1x8x128xf32>
      %reduce_sum3A_129 = arith.constant dense<0.000000e+00> : vector<1xf32>
      %reduce_sum3A_130 = vector.multi_reduction <add>, %reduce_sum3A_128, %reduce_sum3A_129 [1, 2] : vector<1x8x128xf32> to vector<1xf32>
      %reduce_sum3A_131 = vector.shape_cast %reduce_sum3A_130 : vector<1xf32> to vector<1x1x1xf32>
      %reduce_sum3A_132 = vector.extract %reduce_sum3A_131[0, 0, 0] : f32 from vector<1x1x1xf32>
      %div3A_133 = arith.divf %reduce_sum3A_120, %reduce_sum3A_132 : f32
      %broadcast_in_dim3A_134 = vector.broadcast %div3A_133 : f32 to vector<8x128xf32>
      %swap3A_135 = arith.constant 0 : index
      %swap3A_136 = arith.constant 0 : index
      %swap3A_137 = vector.load %arg5[%swap3A_135, %swap3A_136] : memref<8x128xf32, #tpu.memory_space<vmem>>, vector<8x128xf32>
      tpu.vector_store %arg5[%swap3A_135, %swap3A_136], %broadcast_in_dim3A_134 {strides = array<i32>} : memref<8x128xf32, #tpu.memory_space<vmem>>, vector<8x128xf32>,
    } else {
    }
    return
  }
  func.func @transform_0(%arg0: i32) -> (i32, i32) {
    %c0_i32 = arith.constant 0 : i32
    %c0_i32_0 = arith.constant 0 : i32
    return %arg0, %c0_i32 : i32, i32
  }
  func.func @transform_1(%arg0: i32) -> (i32, i32) {
    %c0_i32 = arith.constant 0 : i32
    %c0_i32_0 = arith.constant 0 : i32
    return %arg0, %c0_i32 : i32, i32
  }
  func.func @transform_2(%arg0: i32) -> (i32, i32) {
    %c0_i32 = arith.constant 0 : i32
    %c0_i32_0 = arith.constant 0 : i32
    return %arg0, %c0_i32 : i32, i32
  }
  func.func @transform_3(%arg0: i32) -> (i32, i32) {
    %c0_i32 = arith.constant 0 : i32
    %c0_i32_0 = arith.constant 0 : i32
    return %arg0, %c0_i32 : i32, i32
  }
  func.func @transform_4(%arg0: i32) -> (i32, i32) {
    %c0_i32 = arith.constant 0 : i32
    %c0_i32_0 = arith.constant 0 : i32
    %c0_i32_1 = arith.constant 0 : i32
    return %c0_i32, %c0_i32_0 : i32, i32
  }
}

</mosaic_0001>

<sc_bundles>
// kernel: kernel.5.cloned.1.call-start
scs
__scs_entry_jumppad:
0x0: {  	(pc) =	sbr.rel $0x88, $3  }
0x1: {  	(tag) =	ssettag $0x0;
	lr =	simm.s32 $0x1  }
0x2: {  	[smem:$0x3F9D] =	sst lr;
	_ =	strace $0xD0000000  }
0x3: {  	_ = 	snop  }
0x4: {  	_ = 	snop  }
0x5: {  	_ = 	snop  }
0x6: {  	_ = 	snop  }
0x7: {  	_ = 	snop  }
__scs_overlays_trampoline_lowered:
0x8: {  	[smem:$0x3FAC] =	sst s0  }
0x9: {  	[smem:$0x3FAD] =	sst s1  }
0xa: {  	[smem:$0x3FAE] =	sst s2  }
0xb: {  	[smem:$0x3FAF] =	sst s3  }
0xc: {  	[smem:$0x3FB0] =	sst s4  }
0xd: {  	[smem:$0x3FB1] =	sst s5  }
0xe: {  	[smem:$0x3FB2] =	sst s6  }
0xf: {  	[smem:$0x3FB3] =	sst s7  }
0x10: {  	[smem:$0x3FB4] =	sst s8  }
0x11: {  	[smem:$0x3FB5] =	sst s9;
	s0 =	simm.s32 @!p0 $0x0  }
0x12: {  	s1 =	sld [smem:$0x3F9B];
	s0 =	simm.s32 @p0 $0x1  }
0x13: {  	[smem:$0x3FB6] =	sst s0;
	s0 =	simm.s32 @!p1 $0x0  }
0x14: {  	s2 =	sld [smem:$0x3F9A];
	s0 =	simm.s32 @p1 $0x1  }
0x15: {  	[smem:$0x3FB7] =	sst s0;
	s0 =	simm.s32 @!p2 $0x0  }
0x16: {  	s3 =	sld [smem:$0x3FDB];
	s0 =	simm.s32 @p2 $0x1  }
0x17: {  	s4 =	simm.s32 $0x1BF5;
	[smem:$0x3FB9] =	sst s0  }
0x18: {  	s0 =	sld [smem:$0x3F9C];
	_ =	swait.ge [sflag:s4], $0x0  }
0x19: {  	s7 =	sld [smem:$0x3F9D]  }
0x1a: {  	s8 =	sadd.s32 $0xFFFFE003, lr  }
0x1b: {  	s9 =	sadd.s32 $0xFFFFFEF7, lr;
	s5 =	simm.s32 $0xFFFFFFFF;
	p2 =	slt.u32 s8, $0xFFFFF086  }
0x1c: {  	p1 =	slt.u32 s9, $0xF7A;
	s5 =	simm.s32 @!p2 $0x0  }
0x1d: {  	s5 =	simm.s32 @p1 $0x1;
	p0 =	seq.s32 s7, s2  }
0x1e: {  	s7 =	smul.u32 @!p0 $0xF7A, s2;
	p2 =	seq.s32 @!p0 s5, $0x0  }
0x1f: {  	s9 =	smul.u32 $0xF7A, s1;
	s8 =	simm.s32 @!p0 $0x1BF5;
	p2 =	por !p2, p0  }
0x20: {  	[sflag:s8] =	ssyncset.s32 @!p0 $0xFFFFF086;
	s6 =	sadd.s32 @!p0 s3, s7;
	s7 =	simm.s32 @!p0 $0x108  }
0x21: {  	s3 =	sadd.s32 s3, s9;
	s6 =	sadd.s32 @!p0 $0x88, s6;
	s7 =	simm.s32 @p2 $0x1082  }
0x22: {  	[simem:s7], [sflag:s8] =	dma.local @!p0 [hbm:s6], $0xF7A  }
0x23: {  	s9 =	sor.u32 $0xD0000000, s2;
	s6 =	simm.s32 $0x108;
	_ =	swait.ge @!p0 [sflag:s8], $0x0  }
0x24: {  	s3 =	sadd.s32 $0x88, s3;
	s6 =	simm.s32 @!p1 $0x1082;
	[sflag:s4] =	ssyncset.s32 $0xFFFFF086  }
0x25: {  	[simem:s6], [sflag:s4] =	dma.local [hbm:s3], $0xF7A  }
0x26: {  	[smem:$0x3F9D] =	sst s1;
	(tag) =	ssettag s2;
	_ =	strace s9  }
0x27: {  	s1 =	sld [smem:$0x3FAD]  }
0x28: {  	s2 =	sld [smem:$0x3FAE]  }
0x29: {  	s4 =	sld [smem:$0x3FB0]  }
0x2a: {  	p0 =	seq.s32 s5, $0x0;
	s5 =	sld [smem:$0x3FB1]  }
0x2b: {  	s6 =	sld [smem:$0x3FB2]  }
0x2c: {  	s7 =	sld [smem:$0x3FB3]  }
0x2d: {  	s3 =	simm.s32 $0x108;
	s8 =	sld [smem:$0x3FB4]  }
0x2e: {  	s3 =	simm.s32 @!p0 $0x1082;
	s9 =	sld [smem:$0x3FB5]  }
0x2f: {  	lr =	sadd.s32 s0, s3;
	s0 =	sld [smem:$0x3FAC]  }
0x30: {  	s3 =	sld [smem:$0x3FAF]  }
0x31: {  	[smem:$0x3FB8] =	sst s10  }
0x32: {  	s10 =	sld [smem:$0x3FB6];
	_ =	sdelay $0x3  }
0x33: {  	p0 =	seq.s32 s10, $0x1;
	s10 =	sld [smem:$0x3FB8];
	_ =	sdelay $0x3  }
0x34: {  	[smem:$0x3FB8] =	sst s10  }
0x35: {  	s10 =	sld [smem:$0x3FB7];
	_ =	sdelay $0x3  }
0x36: {  	p1 =	seq.s32 s10, $0x1;
	s10 =	sld [smem:$0x3FB8];
	_ =	sdelay $0x3  }
0x37: {  	[smem:$0x3FB8] =	sst s10  }
0x38: {  	s10 =	sld [smem:$0x3FB9]  }
0x39: {  	_ = 	snop;
	(pc) =	sbr.ind lr, $3  }
0x3a: {  	_ = 	snop  }
0x3b: {  	_ = 	snop  }
0x3c: {  	p2 =	seq.s32 s10, $0x1;
	s10 =	sld [smem:$0x3FB8]  }
0x3d: {  	_ =	shalt  }
0x3e: {  	_ =	shalt  }
0x3f: {  	_ =	shalt  }
0x40: {  	_ =	shalt  }
0x41: {  	_ =	shalt  }
0x42: {  	_ =	shalt  }
0x43: {  	_ =	shalt  }
0x44: {  	_ =	shalt  }
0x45: {  	_ =	shalt  }
0x46: {  	_ =	shalt  }
0x47: {  	_ =	shalt  }
0x48: {  	_ =	shalt  }
0x49: {  	_ =	shalt  }
0x4a: {  	_ =	shalt  }
0x4b: {  	_ =	shalt  }
0x4c: {  	_ =	shalt  }
0x4d: {  	_ =	shalt  }
0x4e: {  	_ =	shalt  }
0x4f: {  	_ =	shalt  }
0x50: {  	_ =	shalt  }
0x51: {  	_ =	shalt  }
0x52: {  	_ =	shalt  }
0x53: {  	_ =	shalt  }
0x54: {  	_ =	shalt  }
0x55: {  	_ =	shalt  }
0x56: {  	_ =	shalt  }
0x57: {  	_ =	shalt  }
0x58: {  	_ =	shalt  }
0x59: {  	_ =	shalt  }
0x5a: {  	_ =	shalt  }
0x5b: {  	_ =	shalt  }
0x5c: {  	_ =	shalt  }
0x5d: {  	_ =	shalt  }
0x5e: {  	_ =	shalt  }
0x5f: {  	_ =	shalt  }
0x60: {  	_ =	shalt  }
0x61: {  	_ =	shalt  }
0x62: {  	_ =	shalt  }
0x63: {  	_ =	shalt  }
0x64: {  	_ =	shalt  }
0x65: {  	_ =	shalt  }
0x66: {  	_ =	shalt  }
0x67: {  	_ =	shalt  }
0x68: {  	_ =	shalt  }
0x69: {  	_ =	shalt  }
0x6a: {  	_ =	shalt  }
0x6b: {  	_ =	shalt  }
0x6c: {  	_ =	shalt  }
0x6d: {  	_ =	shalt  }
0x6e: {  	_ =	shalt  }
0x6f: {  	_ =	shalt  }
0x70: {  	_ =	shalt  }
0x71: {  	_ =	shalt  }
0x72: {  	_ =	shalt  }
0x73: {  	_ =	shalt  }
0x74: {  	_ =	shalt  }
0x75: {  	_ =	shalt  }
0x76: {  	_ =	shalt  }
0x77: {  	_ =	shalt  }
0x78: {  	_ =	shalt  }
0x79: {  	_ =	shalt  }
0x7a: {  	_ =	shalt  }
0x7b: {  	_ =	shalt  }
0x7c: {  	_ =	shalt  }
0x7d: {  	_ =	shalt  }
0x7e: {  	_ =	shalt  }
0x7f: {  	_ =	shalt  }
0x80: {  	_ =	shalt  }
0x81: {  	_ =	shalt  }
0x82: {  	_ =	shalt  }
0x83: {  	_ =	shalt  }
0x84: {  	_ =	shalt  }
0x85: {  	_ =	shalt  }
0x86: {  	_ =	shalt  }
0x87: {  	_ =	shalt  }
.Lfunc_end0:
.L_simem_size_0:
called_computation_lowered:
.L_overlay_start_0:
0x88: {  	s0 =	sld [smem:$0x3FD9]  }
0x89: {  	s1 =	sld [smem:$0x3FFE];
	_ =	sdelay $0x3  }
0x8a: {  	s0 =	sadd.s32 s1, s0  }
0x8b: {  	[smem:$0x3FC4] =	sst s0  }
0x8c: {  	_ = 	snop  }
0x8d: {  	s0 =	sld [smem:$0x3FC8];
	(tm) =	ssettm $0x1  }
0x8e: {  	s16 =	sld [smem:$0x3FFB];
	_ =	sdelay $0x3  }
0x8f: {  	_ =	strace s16  }
0x90: {  	s1 =	sld [smem:$0x3FFC];
	_ =	sdelay $0x3  }
0x91: {  	_ =	strace s1  }
0x92: {  	s1 =	sld [smem:$0x3FFD];
	_ =	sdelay $0x3  }
0x93: {  	_ =	strace s1  }
0x94: {  	_ =	strace $0x8FFFFFFF  }
0x95: {  	s17 =	sld [smem:$0x3FDB];
	_ =	sdelay $0x1  }
0x96: {  	s2 =	simm.s32 $_scs_section_size  }
0x97: {  	s3 =	simm.s32 $_size__tile_overlayer_lowered;
	s4 =	simm.s32 $_tile_overlayer_lowered  }
0x98: {  	s20 =	simm.s32 $0x1BFF;
	s19 =	sshll.u32 s4, $0x1;
	s1 =	sadd.s32 s2, s17  }
0x99: {  	s5 =	simm.s32 $0x0;
	s18 =	sshll.u32 s3, $0x1;
	s3 =	sadd.s32 s19, s1  }
0x9a: {  	[timem:s5], [sflag:s20] =	dma.local [hbm:s3], s18  }
0x9b: {  	_ =	swait.ge [sflag:s20], s18  }
0x9c: {  	s2 =	ssub.s32 $0x0, s18;
	[sflag:s20] =	ssyncset.done $0x0  }
0x9d: {  	[sflag:s20] =	ssyncadd.s32 s2;
	_ =	sdelay $0x1  }
0x9e: {  	s21 =	simm.s32 $0x1B8B  }
0x9f: {  	_ =	swait.ge [sflag:s21], $0x1  }
0xa0: {  	[sflag:s21] =	ssyncset.done $0x0  }
0xa1: {  	s23 =	simm.s32 $0x1B8E;
	s22 =	sld [smem:$0x3FFE];
	[sflag:s21] =	ssyncadd.s32 $0xFFFFFFFF  }
0xa2: {  	s24 =	simm.s32 $execute0_lowered;
	[smem:$0x3FD2] =	sst s23  }
0xa3: {  	s3 =	sshll.u32 s24, $0x1;
	_ =	strace $0x80000046;
	[dreg:$0x1] =	wrdreg $0xFFFFFFFF  }
0xa4: {  	s25 =	simm.s32 $_size_execute0_lowered;
	s1 =	sadd.s32 s1, s3;
	[dreg:$0x0] =	wrdreg $0x0  }
0xa5: {  	s3 =	sshll.u32 s25, $0x1;
	[dreg:$0x2] =	wrdreg s1  }
0xa6: {  	[dreg:$0x3] =	wrdreg s3  }
0xa7: {  	[dreg:$0x4] =	wrdreg $0xC0  }
0xa8: {  	_ =	task [dreg:s5], $0x5FFFF  }
0xa9: {  	[dreg:$0x1] =	wrdreg $0xFFFFFFFF  }
0xaa: {  	[dreg:$0x0] =	wrdreg $0x60  }
0xab: {  	[dreg:$0x2] =	wrdreg s0  }
0xac: {  	[dreg:$0x3] =	wrdreg s22  }
0xad: {  	[dreg:$0x4] =	wrdreg $0x0  }
0xae: {  	[dreg:$0x5] =	wrdreg $0x9  }
0xaf: {  	_ =	task.clear_ibuf [dreg:s5], $0x6FFFF;
	_ =	strace $0x90000046  }
0xb0: {  	s26 =	simm.s32 $0x9;
	_ =	strace $0x80000048  }
0xb1: {  	_ =	swait.ge [sflag:s26], $0x1  }
0xb2: {  	[sflag:s26] =	ssyncadd.s32 $0xFFFFFFFF  }
0xb3: {  	_ =	strace $0x90000048  }
0xb4: {  	_ =	sfence  }
0xb5: {  	s28 =	sld [smem:$0x0];
	_ =	sdelay $0x1  }
0xb6: {  	s29 =	srdreg.scid  }
0xb7: {  	s30 =	sshll.u32 s29, $0xD;
	s31 =	sshrl.u32 s29, $0x2  }
0xb8: {  	s2 =	sand.u32 $0x4000, s30;
	s1 =	sand.u32 $0x1, s29;
	s0 =	sadd.s32 s31, s28  }
0xb9: {  	s1 =	sor.u32 s2, s1;
	s0 =	sshll.u32 s0, $0x11  }
0xba: {  	s0 =	sor.u32 s0, s1  }
0xbb: {  	s0 =	sadd.s32 $0x8F2B, s0  }
0xbc: {  	[sflag:s0] =	ssyncadd.remote.s32 $0x1  }
0xbd: {  	_ =	sfence.sel $0xFFFF  }
0xbe: {  	[dreg:$0x0] =	wrdreg $0xFFFFFFFF;
	(pc) =	sbr.abs _section_cstart, $3  }
0xbf: {  	[dreg:$0x1] =	wrdreg $0xFFFFFFFF  }
0xc0: {  	_ =	task.clear_ibuf [dreg:s5], $0x2FFFF;
	_ =	strace $0x9FFFFFFF  }
0xc1: {  	(tm) =	ssettm $0x7FFFFFFF  }
tec
execute0_lowered:
.L_overlay_start_1:
0x0: {  	(tag) =	ssettag $0x1  }
0x1: {  	s3 =	rddreg [dreg:$0x0]  }
0x2: {  	s4 =	rddreg [dreg:$0x1]  }
0x3: {  	s5 =	rddreg [dreg:$0x2]  }
0x4: {  	s0 =	rddreg [dreg:$0x3];
	s2 =	simm.s32 $0x0;
	s1 =	stileid.u32  }
0x5: {  	[smem:$0x7FF] =	sst s2;
	s6 =	sshll.u32 s1, $0x7  }
0x6: {  	s14 =	simm.s32 $0x4000;
	_ =	strace $0x80000047;
	s3 =	sadd.s32 s3, s6  }
0x7: {  	[tilespmem:s14], [sflag:$0x1] =	stream.linear.gather [hbm4b:s3+s2], $0x400, $0x38;
	[tilespmem:$0x18C00] =	vst v63  }
0x8: {  	s3 =	simm.s32 $0x1  }
0x9: {  	_ =	swait.ge [sflag:s3], $0x400  }
0xa: {  	s7 =	sadd.s32 s6, s4;
	[sflag:s3] =	ssyncset.done $0x0  }
0xb: {  	s15 =	simm.s32 $0x4400;
	s6 =	sadd.s32 $0x1800, s7;
	[sflag:s3] =	ssyncadd.s32 $0xFFFFFC00  }
0xc: {  	[tilespmem:s15], [sflag:$0x1] =	stream.linear.gather [hbm4b:s6+s2], $0x400, $0x38;
	[tilespmem:$0x18C00] =	vst v63  }
0xd: {  	_ =	swait.ge [sflag:s3], $0x400  }
0xe: {  	[sflag:s3] =	ssyncset.done $0x0  }
0xf: {  	s10 =	simm.s32 $0x14C00;
	s20 =	sadd.s32 $0x4000, s4;
	[sflag:s3] =	ssyncadd.s32 $0xFFFFFC00  }
0x10: {  	[tilespmem:s10], [sflag:$0x1] =	stream.linear.gather [hbm4b:s20+s2], $0x4000, $0x38;
	[tilespmem:$0x18C00] =	vst v63  }
0x11: {  	_ =	swait.ge [sflag:s3], $0x4000  }
0x12: {  	[sflag:s3] =	ssyncset.done $0x0  }
0x13: {  	s8 =	sadd.s32 $0x2000, s4;
	s6 =	simm.s32 $0x4C00;
	[sflag:s3] =	ssyncadd.s32 $0xFFFFC000  }
0x14: {  	[tilespmem:s6], [sflag:$0x1] =	stream.linear.gather [hbm4b:s8+s2], $0x10000, $0x38;
	[tilespmem:$0x18C00] =	vst v63  }
0x15: {  	_ =	swait.ge [sflag:s3], $0x10000  }
0x16: {  	s21 =	sshll.u32 s1, $0x11;
	[sflag:s3] =	ssyncset.done $0x0  }
0x17: {  	s9 =	sshll.u32 s1, $0xA;
	s11 =	sadd.s32 s21, s5;
	[sflag:s3] =	ssyncadd.s32 $0xFFFF0000  }
0x18: {  	[spmem:s11] =	stream.linear.scatter [tilespmem:s6], [sflag:$0x1], $0x10000, $0x38;
	[tilespmem:$0x18C00] =	vst v63  }
0x19: {  	s8 =	sor.u32 $0x200, s9;
	_ =	swait.ge [sflag:s3], $0x10000  }
0x1a: {  	s9 =	sshll.u32 s8, $0x7;
	[sflag:s3] =	ssyncset.done $0x0  }
0x1b: {  	s9 =	sadd.s32 s9, s5;
	[sflag:s3] =	ssyncadd.s32 $0xFFFF0000  }
0x1c: {  	[spmem:s9] =	stream.linear.scatter [tilespmem:s6], [sflag:$0x1], $0x10000, $0x38;
	[tilespmem:$0x18C00] =	vst v63  }
0x1d: {  	_ =	swait.ge [sflag:s3], $0x10000  }
0x1e: {  	[sflag:s3] =	ssyncset.done $0x0  }
0x1f: {  	s12 =	simm.s32 $0x80;
	s13 =	sadd.s32 $0x4800, s4;
	[sflag:s3] =	ssyncadd.s32 $0xFFFF0000  }
0x20: {  	[hbm4b:s13+s12] =	stream.indirect.scatter [tilespmem:s15], [sflag:$0x1], $0x1, s14, s12, $0xb8;
	[tilespmem:$0x18C00] =	vst v63  }
0x21: {  	_ =	swait.ge [sflag:s3], $0x80  }
0x22: {  	[sflag:s3] =	ssyncset.done $0x0  }
0x23: {  	s19 =	simm.s32 $0x4080;
	s22 =	simm.s32 $0x4480;
	[sflag:s3] =	ssyncadd.s32 $0xFFFFFF80  }
0x24: {  	[hbm4b:s13+s12] =	stream.indirect.scatter [tilespmem:s22], [sflag:$0x1], $0x1, s19, s12, $0xb8;
	[tilespmem:$0x18C00] =	vst v63  }
0x25: {  	_ =	swait.ge [sflag:s3], $0x80  }
0x26: {  	[sflag:s3] =	ssyncset.done $0x0  }
0x27: {  	s23 =	simm.s32 $0x4500;
	s20 =	simm.s32 $0x4100;
	[sflag:s3] =	ssyncadd.s32 $0xFFFFFF80  }
0x28: {  	[hbm4b:s13+s12] =	stream.indirect.scatter [tilespmem:s23], [sflag:$0x1], $0x1, s20, s12, $0xb8;
	[tilespmem:$0x18C00] =	vst v63  }
0x29: {  	_ =	swait.ge [sflag:s3], $0x80  }
0x2a: {  	[sflag:s3] =	ssyncset.done $0x0  }
0x2b: {  	s24 =	simm.s32 $0x4580;
	s21 =	simm.s32 $0x4180;
	[sflag:s3] =	ssyncadd.s32 $0xFFFFFF80  }
0x2c: {  	[hbm4b:s13+s12] =	stream.indirect.scatter [tilespmem:s24], [sflag:$0x1], $0x1, s21, s12, $0xb8;
	[tilespmem:$0x18C00] =	vst v63  }
0x2d: {  	_ =	swait.ge [sflag:s3], $0x80  }
0x2e: {  	[sflag:s3] =	ssyncset.done $0x0  }
0x2f: {  	s25 =	simm.s32 $0x4600;
	s22 =	simm.s32 $0x4200;
	[sflag:s3] =	ssyncadd.s32 $0xFFFFFF80  }
0x30: {  	[hbm4b:s13+s12] =	stream.indirect.scatter [tilespmem:s25], [sflag:$0x1], $0x1, s22, s12, $0xb8;
	[tilespmem:$0x18C00] =	vst v63  }
0x31: {  	_ =	swait.ge [sflag:s3], $0x80  }
0x32: {  	[sflag:s3] =	ssyncset.done $0x0  }
0x33: {  	s18 =	simm.s32 $0x4280;
	s26 =	simm.s32 $0x4680;
	[sflag:s3] =	ssyncadd.s32 $0xFFFFFF80  }
0x34: {  	[hbm4b:s13+s12] =	stream.indirect.scatter [tilespmem:s26], [sflag:$0x1], $0x1, s18, s12, $0xb8;
	[tilespmem:$0x18C00] =	vst v63  }
0x35: {  	_ =	swait.ge [sflag:s3], $0x80  }
0x36: {  	[sflag:s3] =	ssyncset.done $0x0  }
0x37: {  	s17 =	simm.s32 $0x4300;
	s28 =	simm.s32 $0x4700;
	[sflag:s3] =	ssyncadd.s32 $0xFFFFFF80  }
0x38: {  	[hbm4b:s13+s12] =	stream.indirect.scatter [tilespmem:s28], [sflag:$0x1], $0x1, s17, s12, $0xb8;
	[tilespmem:$0x18C00] =	vst v63  }
0x39: {  	_ =	swait.ge [sflag:s3], $0x80  }
0x3a: {  	[sflag:s3] =	ssyncset.done $0x0  }
0x3b: {  	s16 =	simm.s32 $0x4380;
	s29 =	simm.s32 $0x4780;
	[sflag:s3] =	ssyncadd.s32 $0xFFFFFF80  }
0x3c: {  	[hbm4b:s13+s12] =	stream.indirect.scatter [tilespmem:s29], [sflag:$0x1], $0x1, s16, s12, $0xb8;
	[tilespmem:$0x18C00] =	vst v63  }
0x3d: {  	_ =	swait.ge [sflag:s3], $0x80  }
0x3e: {  	[sflag:s3] =	ssyncset.done $0x0  }
0x3f: {  	[sflag:s3] =	ssyncadd.s32 $0xFFFFFF80  }
0x40: {  	s30 =	simm.s32 $0x4800;
	[bflag:$0x0] =	sbarrier.arrive $0xFFFF  }
0x41: {  	[tilespmem:s30], [sflag:$0x1] =	stream.indirect.gather [hbm4b:s13+s12], $0x1, s14, s12, $0xb8;
	[tilespmem:$0x18C00] =	vst v63  }
0x42: {  	_ =	swait.ge [sflag:s3], $0x80  }
0x43: {  	[sflag:s3] =	ssyncset.done $0x0  }
0x44: {  	[sflag:s3] =	ssyncadd.s32 $0xFFFFFF80  }
0x45: {  	[spmem:s5] =	stream.indirect.scatter.add.f32 [tilespmem:s10], [sflag:$0x1], $0x10, s30, s12, $0xb8;
	[tilespmem:$0x18C00] =	vst v63  }
0x46: {  	_ =	swait.ge [sflag:s3], $0x800  }
0x47: {  	[sflag:s3] =	ssyncset.done $0x0  }
0x48: {  	s31 =	simm.s32 $0x4880;
	[sflag:s3] =	ssyncadd.s32 $0xFFFFF800  }
0x49: {  	[tilespmem:s31], [sflag:$0x1] =	stream.indirect.gather [hbm4b:s13+s12], $0x1, s19, s12, $0xb8;
	[tilespmem:$0x18C00] =	vst v63  }
0x4a: {  	_ =	swait.ge [sflag:s3], $0x80  }
0x4b: {  	[sflag:s3] =	ssyncset.done $0x0  }
0x4c: {  	[sflag:s3] =	ssyncadd.s32 $0xFFFFFF80  }
0x4d: {  	[spmem:s5] =	stream.indirect.scatter.add.f32 [tilespmem:s10], [sflag:$0x1], $0x10, s31, s12, $0xb8;
	[tilespmem:$0x18C00] =	vst v63  }
0x4e: {  	_ =	swait.ge [sflag:s3], $0x800  }
0x4f: {  	[sflag:s3] =	ssyncset.done $0x0  }
0x50: {  	s19 =	simm.s32 $0x4900;
	[sflag:s3] =	ssyncadd.s32 $0xFFFFF800  }
0x51: {  	[tilespmem:s19], [sflag:$0x1] =	stream.indirect.gather [hbm4b:s13+s12], $0x1, s20, s12, $0xb8;
	[tilespmem:$0x18C00] =	vst v63  }
0x52: {  	_ =	swait.ge [sflag:s3], $0x80  }
0x53: {  	[sflag:s3] =	ssyncset.done $0x0  }
0x54: {  	[sflag:s3] =	ssyncadd.s32 $0xFFFFFF80  }
0x55: {  	[spmem:s5] =	stream.indirect.scatter.add.f32 [tilespmem:s10], [sflag:$0x1], $0x10, s19, s12, $0xb8;
	[tilespmem:$0x18C00] =	vst v63  }
0x56: {  	_ =	swait.ge [sflag:s3], $0x800  }
0x57: {  	[sflag:s3] =	ssyncset.done $0x0  }
0x58: {  	s23 =	simm.s32 $0x4980;
	[sflag:s3] =	ssyncadd.s32 $0xFFFFF800  }
0x59: {  	[tilespmem:s23], [sflag:$0x1] =	stream.indirect.gather [hbm4b:s13+s12], $0x1, s21, s12, $0xb8;
	[tilespmem:$0x18C00] =	vst v63  }
0x5a: {  	_ =	swait.ge [sflag:s3], $0x80  }
0x5b: {  	[sflag:s3] =	ssyncset.done $0x0  }
0x5c: {  	[sflag:s3] =	ssyncadd.s32 $0xFFFFFF80  }
0x5d: {  	[spmem:s5] =	stream.indirect.scatter.add.f32 [tilespmem:s10], [sflag:$0x1], $0x10, s23, s12, $0xb8;
	[tilespmem:$0x18C00] =	vst v63  }
0x5e: {  	_ =	swait.ge [sflag:s3], $0x800  }
0x5f: {  	[sflag:s3] =	ssyncset.done $0x0  }
0x60: {  	s24 =	simm.s32 $0x4A00;
	[sflag:s3] =	ssyncadd.s32 $0xFFFFF800  }
0x61: {  	[tilespmem:s24], [sflag:$0x1] =	stream.indirect.gather [hbm4b:s13+s12], $0x1, s22, s12, $0xb8;
	[tilespmem:$0x18C00] =	vst v63  }
0x62: {  	_ =	swait.ge [sflag:s3], $0x80  }
0x63: {  	[sflag:s3] =	ssyncset.done $0x0  }
0x64: {  	[sflag:s3] =	ssyncadd.s32 $0xFFFFFF80  }
0x65: {  	[spmem:s5] =	stream.indirect.scatter.add.f32 [tilespmem:s10], [sflag:$0x1], $0x10, s24, s12, $0xb8;
	[tilespmem:$0x18C00] =	vst v63  }
0x66: {  	_ =	swait.ge [sflag:s3], $0x800  }
0x67: {  	[sflag:s3] =	ssyncset.done $0x0  }
0x68: {  	s25 =	simm.s32 $0x4A80;
	[sflag:s3] =	ssyncadd.s32 $0xFFFFF800  }
0x69: {  	[tilespmem:s25], [sflag:$0x1] =	stream.indirect.gather [hbm4b:s13+s12], $0x1, s18, s12, $0xb8;
	[tilespmem:$0x18C00] =	vst v63  }
0x6a: {  	_ =	swait.ge [sflag:s3], $0x80  }
0x6b: {  	[sflag:s3] =	ssyncset.done $0x0  }
0x6c: {  	[sflag:s3] =	ssyncadd.s32 $0xFFFFFF80  }
0x6d: {  	[spmem:s5] =	stream.indirect.scatter.add.f32 [tilespmem:s10], [sflag:$0x1], $0x10, s25, s12, $0xb8;
	[tilespmem:$0x18C00] =	vst v63  }
0x6e: {  	_ =	swait.ge [sflag:s3], $0x800  }
0x6f: {  	[sflag:s3] =	ssyncset.done $0x0  }
0x70: {  	s26 =	simm.s32 $0x4B00;
	[sflag:s3] =	ssyncadd.s32 $0xFFFFF800  }
0x71: {  	[tilespmem:s26], [sflag:$0x1] =	stream.indirect.gather [hbm4b:s13+s12], $0x1, s17, s12, $0xb8;
	[tilespmem:$0x18C00] =	vst v63  }
0x72: {  	_ =	swait.ge [sflag:s3], $0x80  }
0x73: {  	[sflag:s3] =	ssyncset.done $0x0  }
0x74: {  	[sflag:s3] =	ssyncadd.s32 $0xFFFFFF80  }
0x75: {  	[spmem:s5] =	stream.indirect.scatter.add.f32 [tilespmem:s10], [sflag:$0x1], $0x10, s26, s12, $0xb8;
	[tilespmem:$0x18C00] =	vst v63  }
0x76: {  	_ =	swait.ge [sflag:s3], $0x800  }
0x77: {  	[sflag:s3] =	ssyncset.done $0x0  }
0x78: {  	s28 =	simm.s32 $0x4B80;
	[sflag:s3] =	ssyncadd.s32 $0xFFFFF800  }
0x79: {  	[tilespmem:s28], [sflag:$0x1] =	stream.indirect.gather [hbm4b:s13+s12], $0x1, s16, s12, $0xb8;
	[tilespmem:$0x18C00] =	vst v63  }
0x7a: {  	_ =	swait.ge [sflag:s3], $0x80  }
0x7b: {  	[sflag:s3] =	ssyncset.done $0x0  }
0x7c: {  	[sflag:s3] =	ssyncadd.s32 $0xFFFFFF80  }
0x7d: {  	[spmem:s5] =	stream.indirect.scatter.add.f32 [tilespmem:s10], [sflag:$0x1], $0x10, s28, s12, $0xb8;
	[tilespmem:$0x18C00] =	vst v63  }
0x7e: {  	_ =	swait.ge [sflag:s3], $0x800  }
0x7f: {  	[sflag:s3] =	ssyncset.done $0x0  }
0x80: {  	s29 =	sadd.s32 $0x7A00, s7;
	[sflag:s3] =	ssyncadd.s32 $0xFFFFF800  }
0x81: {  	[hbm4b:s29+s2] =	stream.linear.scatter [tilespmem:s30], [sflag:$0x1], $0x400, $0x38;
	[tilespmem:$0x18C00] =	vst v63  }
0x82: {  	_ =	swait.ge [sflag:s3], $0x400  }
0x83: {  	[sflag:s3] =	ssyncset.done $0x0  }
0x84: {  	[sflag:s3] =	ssyncadd.s32 $0xFFFFFC00  }
0x85: {  	[bflag:$0x0] =	sbarrier.arrive $0xFFFF  }
0x86: {  	[tilespmem:s6], [sflag:$0x1] =	stream.linear.gather [spmem:s11], $0x10000, $0x38;
	[tilespmem:$0x18C00] =	vst v63  }
0x87: {  	_ =	swait.ge [sflag:s3], $0x10000  }
0x88: {  	s4 =	sadd.s32 $0x8200, s4;
	s30 =	sshll.u32 s1, $0xE;
	[sflag:s3] =	ssyncset.done $0x0  }
0x89: {  	s5 =	sadd.s32 s4, s30;
	[sflag:s3] =	ssyncadd.s32 $0xFFFF0000  }
0x8a: {  	[hbm4b:s5+s2] =	stream.linear.scatter [tilespmem:s6], [sflag:$0x1], $0x10000, $0x38;
	[tilespmem:$0x18C00] =	vst v63  }
0x8b: {  	_ =	swait.ge [sflag:s3], $0x10000  }
0x8c: {  	[sflag:s3] =	ssyncset.done $0x0  }
0x8d: {  	[sflag:s3] =	ssyncadd.s32 $0xFFFF0000  }
0x8e: {  	[tilespmem:s6], [sflag:$0x1] =	stream.linear.gather [spmem:s9], $0x10000, $0x38;
	[tilespmem:$0x18C00] =	vst v63  }
0x8f: {  	_ =	swait.ge [sflag:s3], $0x10000  }
0x90: {  	s31 =	sshll.u32 s8, $0x4;
	[sflag:s3] =	ssyncset.done $0x0  }
0x91: {  	s4 =	sadd.s32 s4, s31;
	[sflag:s3] =	ssyncadd.s32 $0xFFFF0000  }
0x92: {  	[hbm4b:s4+s2] =	stream.linear.scatter [tilespmem:s6], [sflag:$0x1], $0x10000, $0x38;
	[tilespmem:$0x18C00] =	vst v63  }
0x93: {  	_ =	swait.ge [sflag:s3], $0x10000  }
0x94: {  	[sflag:s3] =	ssyncset.done $0x0  }
0x95: {  	[sflag:s3] =	ssyncadd.s32 $0xFFFF0000  }
0x96: {  	_ =	sfence.sel $0x180000  }
0x97: {  	[bflag:$0x0] =	sbarrier.arrive $0xFFFF  }
0x98: {  	p0 =	sne.s32 s1, $0x0;
	_ =	strace $0x90000047  }
0x99: {  	s0 =	sadd.s32 @!p0 $0x100000, s0;
	[bflag:$0x2] =	sbarrier.arrive $0xFFFF  }
0x9a: {  	[sflag:s0] =	ssyncadd.tile.s32 @!p0 $0x1;
	_ =	shalt  }
.Lfunc_end2:
_tile_overlayer_lowered:
.L_overlay_start_2:
0x9b: {  	(tag) =	ssettag $0x2  }
0x9c: {  	s0 =	rddreg [dreg:$0x0];
	s2 =	stileid.u32  }
0x9d: {  	s1 =	rddreg [dreg:$0x1];
	p0 =	sne.s32 s2, $0x0  }
0x9e: {  	s3 =	rddreg [dreg:$0x2];
	[bflag:$0x3] =	sbarrier.arrive $0xFFFF;
	s2 =	simm.s32 @!p0 $0x1C01  }
0x9f: {  	[timem:s3], [sflag:s2] =	dma.local @!p0 [hbm:s0], s1  }
0xa0: {  	s0 =	simm.s32 @!p0 $0x1  }
0xa1: {  	_ =	swait.ge @!p0 [sflag:s0], s1  }
0xa2: {  	s1 =	ssub.s32 @!p0 $0x0, s1;
	[sflag:s0] =	ssyncset.done @!p0 $0x0  }
0xa3: {  	[sflag:s0] =	ssyncadd.s32 @!p0 s1  }
0xa4: {  	[bflag:$0x3] =	sbarrier.arrive $0xFFFF  }
0xa5: {  	_ =	shalt  }

// kernel: kernel.8.cloned.1.call-start
scs
__scs_entry_jumppad:
0x0: {  	(pc) =	sbr.rel $0x88, $3  }
0x1: {  	(tag) =	ssettag $0x0;
	lr =	simm.s32 $0x1  }
0x2: {  	[smem:$0x3F9D] =	sst lr;
	_ =	strace $0xD0000000  }
0x3: {  	_ = 	snop  }
0x4: {  	_ = 	snop  }
0x5: {  	_ = 	snop  }
0x6: {  	_ = 	snop  }
0x7: {  	_ = 	snop  }
__scs_overlays_trampoline_lowered:
0x8: {  	[smem:$0x3FAC] =	sst s0  }
0x9: {  	[smem:$0x3FAD] =	sst s1  }
0xa: {  	[smem:$0x3FAE] =	sst s2  }
0xb: {  	[smem:$0x3FAF] =	sst s3  }
0xc: {  	[smem:$0x3FB0] =	sst s4  }
0xd: {  	[smem:$0x3FB1] =	sst s5  }
0xe: {  	[smem:$0x3FB2] =	sst s6  }
0xf: {  	[smem:$0x3FB3] =	sst s7  }
0x10: {  	[smem:$0x3FB4] =	sst s8  }
0x11: {  	[smem:$0x3FB5] =	sst s9;
	s0 =	simm.s32 @!p0 $0x0  }
0x12: {  	s1 =	sld [smem:$0x3F9B];
	s0 =	simm.s32 @p0 $0x1  }
0x13: {  	[smem:$0x3FB6] =	sst s0;
	s0 =	simm.s32 @!p1 $0x0  }
0x14: {  	s2 =	sld [smem:$0x3F9A];
	s0 =	simm.s32 @p1 $0x1  }
0x15: {  	[smem:$0x3FB7] =	sst s0;
	s0 =	simm.s32 @!p2 $0x0  }
0x16: {  	s3 =	sld [smem:$0x3FDB];
	s0 =	simm.s32 @p2 $0x1  }
0x17: {  	s4 =	simm.s32 $0x1BF5;
	[smem:$0x3FB9] =	sst s0  }
0x18: {  	s0 =	sld [smem:$0x3F9C];
	_ =	swait.ge [sflag:s4], $0x0  }
0x19: {  	s7 =	sld [smem:$0x3F9D]  }
0x1a: {  	s8 =	sadd.s32 $0xFFFFE003, lr  }
0x1b: {  	s9 =	sadd.s32 $0xFFFFFEF7, lr;
	s5 =	simm.s32 $0xFFFFFFFF;
	p2 =	slt.u32 s8, $0xFFFFF086  }
0x1c: {  	p1 =	slt.u32 s9, $0xF7A;
	s5 =	simm.s32 @!p2 $0x0  }
0x1d: {  	s5 =	simm.s32 @p1 $0x1;
	p0 =	seq.s32 s7, s2  }
0x1e: {  	s7 =	smul.u32 @!p0 $0xF7A, s2;
	p2 =	seq.s32 @!p0 s5, $0x0  }
0x1f: {  	s9 =	smul.u32 $0xF7A, s1;
	s8 =	simm.s32 @!p0 $0x1BF5;
	p2 =	por !p2, p0  }
0x20: {  	[sflag:s8] =	ssyncset.s32 @!p0 $0xFFFFF086;
	s6 =	sadd.s32 @!p0 s3, s7;
	s7 =	simm.s32 @!p0 $0x108  }
0x21: {  	s3 =	sadd.s32 s3, s9;
	s6 =	sadd.s32 @!p0 $0x88, s6;
	s7 =	simm.s32 @p2 $0x1082  }
0x22: {  	[simem:s7], [sflag:s8] =	dma.local @!p0 [hbm:s6], $0xF7A  }
0x23: {  	s9 =	sor.u32 $0xD0000000, s2;
	s6 =	simm.s32 $0x108;
	_ =	swait.ge @!p0 [sflag:s8], $0x0  }
0x24: {  	s3 =	sadd.s32 $0x88, s3;
	s6 =	simm.s32 @!p1 $0x1082;
	[sflag:s4] =	ssyncset.s32 $0xFFFFF086  }
0x25: {  	[simem:s6], [sflag:s4] =	dma.local [hbm:s3], $0xF7A  }
0x26: {  	[smem:$0x3F9D] =	sst s1;
	(tag) =	ssettag s2;
	_ =	strace s9  }
0x27: {  	s1 =	sld [smem:$0x3FAD]  }
0x28: {  	s2 =	sld [smem:$0x3FAE]  }
0x29: {  	s4 =	sld [smem:$0x3FB0]  }
0x2a: {  	p0 =	seq.s32 s5, $0x0;
	s5 =	sld [smem:$0x3FB1]  }
0x2b: {  	s6 =	sld [smem:$0x3FB2]  }
0x2c: {  	s7 =	sld [smem:$0x3FB3]  }
0x2d: {  	s3 =	simm.s32 $0x108;
	s8 =	sld [smem:$0x3FB4]  }
0x2e: {  	s3 =	simm.s32 @!p0 $0x1082;
	s9 =	sld [smem:$0x3FB5]  }
0x2f: {  	lr =	sadd.s32 s0, s3;
	s0 =	sld [smem:$0x3FAC]  }
0x30: {  	s3 =	sld [smem:$0x3FAF]  }
0x31: {  	[smem:$0x3FB8] =	sst s10  }
0x32: {  	s10 =	sld [smem:$0x3FB6];
	_ =	sdelay $0x3  }
0x33: {  	p0 =	seq.s32 s10, $0x1;
	s10 =	sld [smem:$0x3FB8];
	_ =	sdelay $0x3  }
0x34: {  	[smem:$0x3FB8] =	sst s10  }
0x35: {  	s10 =	sld [smem:$0x3FB7];
	_ =	sdelay $0x3  }
0x36: {  	p1 =	seq.s32 s10, $0x1;
	s10 =	sld [smem:$0x3FB8];
	_ =	sdelay $0x3  }
0x37: {  	[smem:$0x3FB8] =	sst s10  }
0x38: {  	s10 =	sld [smem:$0x3FB9]  }
0x39: {  	_ = 	snop;
	(pc) =	sbr.ind lr, $3  }
0x3a: {  	_ = 	snop  }
0x3b: {  	_ = 	snop  }
0x3c: {  	p2 =	seq.s32 s10, $0x1;
	s10 =	sld [smem:$0x3FB8]  }
0x3d: {  	_ =	shalt  }
0x3e: {  	_ =	shalt  }
0x3f: {  	_ =	shalt  }
0x40: {  	_ =	shalt  }
0x41: {  	_ =	shalt  }
0x42: {  	_ =	shalt  }
0x43: {  	_ =	shalt  }
0x44: {  	_ =	shalt  }
0x45: {  	_ =	shalt  }
0x46: {  	_ =	shalt  }
0x47: {  	_ =	shalt  }
0x48: {  	_ =	shalt  }
0x49: {  	_ =	shalt  }
0x4a: {  	_ =	shalt  }
0x4b: {  	_ =	shalt  }
0x4c: {  	_ =	shalt  }
0x4d: {  	_ =	shalt  }
0x4e: {  	_ =	shalt  }
0x4f: {  	_ =	shalt  }
0x50: {  	_ =	shalt  }
0x51: {  	_ =	shalt  }
0x52: {  	_ =	shalt  }
0x53: {  	_ =	shalt  }
0x54: {  	_ =	shalt  }
0x55: {  	_ =	shalt  }
0x56: {  	_ =	shalt  }
0x57: {  	_ =	shalt  }
0x58: {  	_ =	shalt  }
0x59: {  	_ =	shalt  }
0x5a: {  	_ =	shalt  }
0x5b: {  	_ =	shalt  }
0x5c: {  	_ =	shalt  }
0x5d: {  	_ =	shalt  }
0x5e: {  	_ =	shalt  }
0x5f: {  	_ =	shalt  }
0x60: {  	_ =	shalt  }
0x61: {  	_ =	shalt  }
0x62: {  	_ =	shalt  }
0x63: {  	_ =	shalt  }
0x64: {  	_ =	shalt  }
0x65: {  	_ =	shalt  }
0x66: {  	_ =	shalt  }
0x67: {  	_ =	shalt  }
0x68: {  	_ =	shalt  }
0x69: {  	_ =	shalt  }
0x6a: {  	_ =	shalt  }
0x6b: {  	_ =	shalt  }
0x6c: {  	_ =	shalt  }
0x6d: {  	_ =	shalt  }
0x6e: {  	_ =	shalt  }
0x6f: {  	_ =	shalt  }
0x70: {  	_ =	shalt  }
0x71: {  	_ =	shalt  }
0x72: {  	_ =	shalt  }
0x73: {  	_ =	shalt  }
0x74: {  	_ =	shalt  }
0x75: {  	_ =	shalt  }
0x76: {  	_ =	shalt  }
0x77: {  	_ =	shalt  }
0x78: {  	_ =	shalt  }
0x79: {  	_ =	shalt  }
0x7a: {  	_ =	shalt  }
0x7b: {  	_ =	shalt  }
0x7c: {  	_ =	shalt  }
0x7d: {  	_ =	shalt  }
0x7e: {  	_ =	shalt  }
0x7f: {  	_ =	shalt  }
0x80: {  	_ =	shalt  }
0x81: {  	_ =	shalt  }
0x82: {  	_ =	shalt  }
0x83: {  	_ =	shalt  }
0x84: {  	_ =	shalt  }
0x85: {  	_ =	shalt  }
0x86: {  	_ =	shalt  }
0x87: {  	_ =	shalt  }
.Lfunc_end0:
.L_simem_size_0:
called_computation.1_lowered:
.L_overlay_start_0:
0x88: {  	s2 =	sld [smem:$0x3FD9]  }
0x89: {  	s3 =	sld [smem:$0x3FFE];
	_ =	sdelay $0x1  }
0x8a: {  	s1 =	srdreg.scid  }
0x8b: {  	s0 =	sand.u32 $0x1, s1  }
0x8c: {  	s17 =	sshll.u32 s0, $0xA;
	s2 =	sadd.s32 s3, s2  }
0x8d: {  	s2 =	sadd.s32 s2, s17  }
0x8e: {  	[smem:$0x3FC4] =	sst s2  }
0x8f: {  	_ = 	snop  }
0x90: {  	s2 =	sld [smem:$0x3FC8];
	(tm) =	ssettm $0x1  }
0x91: {  	s18 =	sld [smem:$0x3FFB];
	_ =	sdelay $0x3  }
0x92: {  	_ =	strace s18  }
0x93: {  	s3 =	sld [smem:$0x3FFC];
	_ =	sdelay $0x3  }
0x94: {  	_ =	strace s3  }
0x95: {  	s3 =	sld [smem:$0x3FFD];
	_ =	sdelay $0x3  }
0x96: {  	_ =	strace s3  }
0x97: {  	_ =	strace $0x8FFFFFFF  }
0x98: {  	s19 =	sld [smem:$0x3FDB];
	_ =	sdelay $0x1  }
0x99: {  	s4 =	simm.s32 $_scs_section_size  }
0x9a: {  	s5 =	simm.s32 $_size__tile_overlayer_lowered;
	s6 =	simm.s32 $_tile_overlayer_lowered  }
0x9b: {  	s22 =	simm.s32 $0x1BFF;
	s21 =	sshll.u32 s6, $0x1;
	s3 =	sadd.s32 s4, s19  }
0x9c: {  	s7 =	simm.s32 $0x0;
	s20 =	sshll.u32 s5, $0x1;
	s5 =	sadd.s32 s21, s3  }
0x9d: {  	[timem:s7], [sflag:s22] =	dma.local [hbm:s5], s20  }
0x9e: {  	_ =	swait.ge [sflag:s22], s20  }
0x9f: {  	s4 =	ssub.s32 $0x0, s20;
	[sflag:s22] =	ssyncset.done $0x0  }
0xa0: {  	[sflag:s22] =	ssyncadd.s32 s4;
	_ =	sdelay $0x1  }
0xa1: {  	s23 =	simm.s32 $0x1B8B  }
0xa2: {  	_ =	swait.ge [sflag:s23], $0x1  }
0xa3: {  	[sflag:s23] =	ssyncset.done $0x0  }
0xa4: {  	s25 =	simm.s32 $0x1B8E;
	s24 =	sld [smem:$0x3FFE];
	[sflag:s23] =	ssyncadd.s32 $0xFFFFFFFF  }
0xa5: {  	s26 =	simm.s32 $execute0_lowered;
	[smem:$0x3FD2] =	sst s25  }
0xa6: {  	s5 =	sshll.u32 s26, $0x1;
	_ =	strace $0x80000049;
	[dreg:$0x1] =	wrdreg $0xFFFFFFFF  }
0xa7: {  	s28 =	simm.s32 $_size_execute0_lowered;
	s3 =	sadd.s32 s3, s5;
	[dreg:$0x0] =	wrdreg $0x0  }
0xa8: {  	s5 =	sshll.u32 s28, $0x1;
	[dreg:$0x2] =	wrdreg s3  }
0xa9: {  	[dreg:$0x3] =	wrdreg s5  }
0xaa: {  	[dreg:$0x4] =	wrdreg $0xC0  }
0xab: {  	_ =	task [dreg:s7], $0x5FFFF  }
0xac: {  	[dreg:$0x1] =	wrdreg $0xFFFFFFFF  }
0xad: {  	[dreg:$0x0] =	wrdreg $0x60  }
0xae: {  	[dreg:$0x2] =	wrdreg s24  }
0xaf: {  	[dreg:$0x3] =	wrdreg s2  }
0xb0: {  	[dreg:$0x4] =	wrdreg $0x0  }
0xb1: {  	[dreg:$0x5] =	wrdreg $0x9  }
0xb2: {  	_ =	task.clear_ibuf [dreg:s7], $0x6FFFF;
	_ =	strace $0x90000049  }
0xb3: {  	s29 =	simm.s32 $0x9;
	_ =	strace $0x8000004B  }
0xb4: {  	_ =	swait.ge [sflag:s29], $0x1  }
0xb5: {  	[sflag:s29] =	ssyncadd.s32 $0xFFFFFFFF  }
0xb6: {  	_ =	strace $0x9000004B  }
0xb7: {  	_ =	sfence  }
0xb8: {  	s30 =	sld [smem:$0x0];
	_ =	sdelay $0x2  }
0xb9: {  	s31 =	sshll.u32 s1, $0xD;
	s1 =	sshrl.u32 s1, $0x2  }
0xba: {  	s3 =	sand.u32 $0x4000, s31;
	s1 =	sadd.s32 s1, s30  }
0xbb: {  	s0 =	sor.u32 s3, s0;
	s1 =	sshll.u32 s1, $0x11  }
0xbc: {  	s0 =	sor.u32 s1, s0  }
0xbd: {  	s0 =	sadd.s32 $0x8F2B, s0  }
0xbe: {  	[sflag:s0] =	ssyncadd.remote.s32 $0x1  }
0xbf: {  	_ =	sfence.sel $0xFFFF  }
0xc0: {  	[dreg:$0x0] =	wrdreg $0xFFFFFFFF;
	(pc) =	sbr.abs _section_cstart, $3  }
0xc1: {  	[dreg:$0x1] =	wrdreg $0xFFFFFFFF  }
0xc2: {  	_ =	task.clear_ibuf [dreg:s7], $0x2FFFF;
	_ =	strace $0x9FFFFFFF  }
0xc3: {  	(tm) =	ssettm $0x7FFFFFFF  }
tec
execute0_lowered:
.L_overlay_start_1:
0x0: {  	(tag) =	ssettag $0x1  }
0x1: {  	s0 =	srdreg.scid  }
0x2: {  	s30 =	rddreg [dreg:$0x0];
	s31 =	sand.u32 $0x1, s0  }
0x3: {  	s4 =	rddreg [dreg:$0x1];
	s23 =	stileid.u32;
	s5 =	sshll.u32 s31, $0x4  }
0x4: {  	s2 =	rddreg [dreg:$0x2];
	s3 =	simm.s32 $0x0;
	s12 =	sor.u32 s23, s5  }
0x5: {  	[smem:$0x7FF] =	sst s3;
	s6 =	sshll.u32 s23, $0x6;
	s5 =	sshll.u32 s12, $0x6  }
0x6: {  	s7 =	sadd.s32 $0x1800, s30;
	s6 =	sand.u32 $0x40, s6;
	s5 =	sand.u32 $0x780, s5  }
0x7: {  	_ =	strace $0x8000004A;
	[dreg:$0x4] =	wrdreg s7;
	s8 =	sor.u32 s6, s5  }
0x8: {  	s6 =	simm.s32 $0x8000;
	s5 =	simm.s32 $0x1;
	s4 =	sadd.s32 s4, s8  }
0x9: {  	[tilespmem:s6], [sflag:$0x1] =	stream.linear.gather [hbm4b:s4+s3], $0x200, $0x38;
	[tilespmem:$0x1C400] =	vst v63  }
0xa: {  	_ =	swait.ge [sflag:s5], $0x200  }
0xb: {  	s25 =	sadd.s32 s8, s30;
	[sflag:s5] =	ssyncset.done $0x0  }
0xc: {  	s8 =	simm.s32 $0x8200;
	s7 =	sadd.s32 $0x7A00, s25;
	[sflag:s5] =	ssyncadd.s32 $0xFFFFFE00  }
0xd: {  	[tilespmem:s8], [sflag:$0x1] =	stream.linear.gather [hbm4b:s7+s3], $0x200, $0x38;
	[tilespmem:$0x1C400] =	vst v63  }
0xe: {  	_ =	swait.ge [sflag:s5], $0x200  }
0xf: {  	s24 =	stileid.u32;
	[sflag:s5] =	ssyncset.done $0x0  }
0x10: {  	s9 =	simm.s32 $0x8400;
	s10 =	rddreg [dreg:$0x4];
	[sflag:s5] =	ssyncadd.s32 $0xFFFFFE00  }
0x11: {  	[tilespmem:s9], [sflag:$0x1] =	stream.linear.gather [hbm4b:s10+s3], $0x10000, $0x38;
	[tilespmem:$0x1C400] =	vst v63  }
0x12: {  	s11 =	sshll.u32 s24, $0xA;
	_ =	swait.ge [sflag:s5], $0x10000  }
0x13: {  	s26 =	sshll.u32 s24, $0x11;
	s1 =	sor.u32 $0x200, s11;
	[sflag:s5] =	ssyncset.done $0x0  }
0x14: {  	s10 =	sadd.s32 s26, s2;
	[dreg:$0x5] =	wrdreg s1;
	[sflag:s5] =	ssyncadd.s32 $0xFFFF0000  }
0x15: {  	[spmem:s10] =	stream.linear.scatter [tilespmem:s9], [sflag:$0x1], $0x10000, $0x38;
	[tilespmem:$0x1C400] =	vst v63  }
0x16: {  	_ =	swait.ge [sflag:s5], $0x10000  }
0x17: {  	s11 =	sshll.u32 s1, $0x7;
	[sflag:s5] =	ssyncset.done $0x0  }
0x18: {  	s13 =	sshll.u32 s24, $0xD;
	s11 =	sadd.s32 s11, s2;
	[sflag:s5] =	ssyncadd.s32 $0xFFFF0000  }
0x19: {  	[spmem:s11] =	stream.linear.scatter [tilespmem:s9], [sflag:$0x1], $0x10000, $0x38;
	[tilespmem:$0x1C400] =	vst v63  }
0x1a: {  	s13 =	sadd.s32 s13, s30;
	s12 =	sshll.u32 s12, $0xD;
	_ =	swait.ge [sflag:s5], $0x10000  }
0x1b: {  	p0 =	seq.s32 s31, $0x0;
	s29 =	sadd.s32 s12, s30;
	[sflag:s5] =	ssyncset.done $0x0  }
0x1c: {  	s13 =	sadd.s32 $0x48200, s13;
	s12 =	sadd.s32 $0x88200, s29;
	[sflag:s5] =	ssyncadd.s32 $0xFFFF0000  }
0x1d: {  	s12 =	smov.u32 @p0 s13;
	[bflag:$0x0] =	sbarrier.arrive $0xFFFF  }
0x1e: {  	[tilespmem:s9], [sflag:$0x1] =	stream.linear.gather [hbm4b:s12+s3], $0x10000, $0x38;
	[tilespmem:$0x1C400] =	vst v63  }
0x1f: {  	_ =	swait.ge [sflag:s5], $0x10000  }
0x20: {  	[sflag:s5] =	ssyncset.done $0x0  }
0x21: {  	s13 =	simm.s32 $0x80;
	[sflag:s5] =	ssyncadd.s32 $0xFFFF0000  }
0x22: {  	[spmem:s2] =	stream.indirect.scatter.add.f32 [tilespmem:s9], [sflag:$0x1], $0x20, s8, s13, $0xb8;
	[tilespmem:$0x1C400] =	vst v63  }
0x23: {  	_ =	swait.ge [sflag:s5], $0x1000  }
0x24: {  	[sflag:s5] =	ssyncset.done $0x0  }
0x25: {  	s14 =	simm.s32 $0x8280;
	s15 =	simm.s32 $0xC400;
	[sflag:s5] =	ssyncadd.s32 $0xFFFFF000  }
0x26: {  	[spmem:s2] =	stream.indirect.scatter.add.f32 [tilespmem:s15], [sflag:$0x1], $0x20, s14, s13, $0xb8;
	[tilespmem:$0x1C400] =	vst v63  }
0x27: {  	_ =	swait.ge [sflag:s5], $0x1000  }
0x28: {  	[sflag:s5] =	ssyncset.done $0x0  }
0x29: {  	s16 =	simm.s32 $0x8300;
	s17 =	simm.s32 $0x10400;
	[sflag:s5] =	ssyncadd.s32 $0xFFFFF000  }
0x2a: {  	[spmem:s2] =	stream.indirect.scatter.add.f32 [tilespmem:s17], [sflag:$0x1], $0x20, s16, s13, $0xb8;
	[tilespmem:$0x1C400] =	vst v63  }
0x2b: {  	_ =	swait.ge [sflag:s5], $0x1000  }
0x2c: {  	[sflag:s5] =	ssyncset.done $0x0  }
0x2d: {  	s18 =	simm.s32 $0x8380;
	s19 =	simm.s32 $0x14400;
	[sflag:s5] =	ssyncadd.s32 $0xFFFFF000  }
0x2e: {  	[spmem:s2] =	stream.indirect.scatter.add.f32 [tilespmem:s19], [sflag:$0x1], $0x20, s18, s13, $0xb8;
	[tilespmem:$0x1C400] =	vst v63  }
0x2f: {  	_ =	swait.ge [sflag:s5], $0x1000  }
0x30: {  	[sflag:s5] =	ssyncset.done $0x0  }
0x31: {  	s21 =	simm.s32 $0x18400;
	s20 =	sadd.s32 $0x3D5600, s30;
	[sflag:s5] =	ssyncadd.s32 $0xFFFFF000  }
0x32: {  	[tilespmem:s21], [sflag:$0x1] =	stream.indirect.gather [hbm4b:s20+s13], $0x80, s6, s13, $0xb8;
	[tilespmem:$0x1C400] =	vst v63  }
0x33: {  	_ =	swait.ge [sflag:s5], $0x4000  }
0x34: {  	[sflag:s5] =	ssyncset.done $0x0  }
0x35: {  	s22 =	sadd.s32 $0x148200, s29;
	[sflag:s5] =	ssyncadd.s32 $0xFFFFC000  }
0x36: {  	[hbm4b:s22+s3] =	stream.linear.scatter [tilespmem:s21], [sflag:$0x1], $0x4000, $0x38;
	[tilespmem:$0x1C400] =	vst v63  }
0x37: {  	_ =	swait.ge [sflag:s5], $0x4000  }
0x38: {  	[sflag:s5] =	ssyncset.done $0x0  }
0x39: {  	s23 =	simm.s32 $0x8080;
	[sflag:s5] =	ssyncadd.s32 $0xFFFFC000  }
0x3a: {  	[tilespmem:s21], [sflag:$0x1] =	stream.indirect.gather [hbm4b:s20+s13], $0x80, s23, s13, $0xb8;
	[tilespmem:$0x1C400] =	vst v63  }
0x3b: {  	_ =	swait.ge [sflag:s5], $0x4000  }
0x3c: {  	[sflag:s5] =	ssyncset.done $0x0  }
0x3d: {  	s24 =	sadd.s32 $0x148A00, s29;
	[sflag:s5] =	ssyncadd.s32 $0xFFFFC000  }
0x3e: {  	[hbm4b:s24+s3] =	stream.linear.scatter [tilespmem:s21], [sflag:$0x1], $0x4000, $0x38;
	[tilespmem:$0x1C400] =	vst v63  }
0x3f: {  	_ =	swait.ge [sflag:s5], $0x4000  }
0x40: {  	[sflag:s5] =	ssyncset.done $0x0  }
0x41: {  	s25 =	simm.s32 $0x8100;
	[sflag:s5] =	ssyncadd.s32 $0xFFFFC000  }
0x42: {  	[tilespmem:s21], [sflag:$0x1] =	stream.indirect.gather [hbm4b:s20+s13], $0x80, s25, s13, $0xb8;
	[tilespmem:$0x1C400] =	vst v63  }
0x43: {  	_ =	swait.ge [sflag:s5], $0x4000  }
0x44: {  	[sflag:s5] =	ssyncset.done $0x0  }
0x45: {  	s26 =	sadd.s32 $0x149200, s29;
	[sflag:s5] =	ssyncadd.s32 $0xFFFFC000  }
0x46: {  	[hbm4b:s26+s3] =	stream.linear.scatter [tilespmem:s21], [sflag:$0x1], $0x4000, $0x38;
	[tilespmem:$0x1C400] =	vst v63  }
0x47: {  	_ =	swait.ge [sflag:s5], $0x4000  }
0x48: {  	[sflag:s5] =	ssyncset.done $0x0  }
0x49: {  	s28 =	simm.s32 $0x8180;
	[sflag:s5] =	ssyncadd.s32 $0xFFFFC000  }
0x4a: {  	[tilespmem:s21], [sflag:$0x1] =	stream.indirect.gather [hbm4b:s20+s13], $0x80, s28, s13, $0xb8;
	[tilespmem:$0x1C400] =	vst v63  }
0x4b: {  	_ =	swait.ge [sflag:s5], $0x4000  }
0x4c: {  	[sflag:s5] =	ssyncset.done $0x0  }
0x4d: {  	s29 =	sadd.s32 $0x149A00, s29;
	[sflag:s5] =	ssyncadd.s32 $0xFFFFC000  }
0x4e: {  	[hbm4b:s29+s3] =	stream.linear.scatter [tilespmem:s21], [sflag:$0x1], $0x4000, $0x38;
	[tilespmem:$0x1C400] =	vst v63  }
0x4f: {  	_ =	swait.ge [sflag:s5], $0x4000  }
0x50: {  	[sflag:s5] =	ssyncset.done $0x0  }
0x51: {  	[sflag:s5] =	ssyncadd.s32 $0xFFFFC000  }
0x52: {  	s0 =	sadd.s32 $0x108200, s30;
	s1 =	sadd.s32 $0xC8200, s30;
	[bflag:$0x0] =	sbarrier.arrive $0xFFFF  }
0x53: {  	[tilespmem:s9], [sflag:$0x1] =	stream.linear.gather [spmem:s10], $0x10000, $0x38;
	[tilespmem:$0x1C400] =	vst v63  }
0x54: {  	s0 =	smov.u32 @p0 s1;
	s1 =	stileid.u32;
	_ =	swait.ge [sflag:s5], $0x10000  }
0x55: {  	s1 =	sshll.u32 s1, $0xE;
	[sflag:s5] =	ssyncset.done $0x0  }
0x56: {  	s30 =	sadd.s32 s0, s1;
	[sflag:s5] =	ssyncadd.s32 $0xFFFF0000  }
0x57: {  	[hbm4b:s30+s3] =	stream.linear.scatter [tilespmem:s9], [sflag:$0x1], $0x10000, $0x38;
	[tilespmem:$0x1C400] =	vst v63  }
0x58: {  	s1 =	ssub.s32 $0x2, s31;
	_ =	swait.ge [sflag:s5], $0x10000  }
0x59: {  	s31 =	sshrl.u32 s1, $0x1;
	[sflag:s5] =	ssyncset.done $0x0  }
0x5a: {  	s1 =	ssub.s32 s1, s31;
	[sflag:s5] =	ssyncadd.s32 $0xFFFF0000  }
0x5b: {  	[tilespmem:s9], [sflag:$0x1] =	stream.linear.gather [spmem:s11], $0x10000, $0x38;
	[tilespmem:$0x1C400] =	vst v63  }
0x5c: {  	s1 =	smax.u32 s1, $0x1;
	_ =	swait.ge [sflag:s5], $0x10000  }
0x5d: {  	p0 =	sne.s32 s1, $0x1;
	s31 =	rddreg [dreg:$0x5]  }
.Ltmp0:
0x5e: {  	[sflag:s5] =	ssyncset.done $0x0;
	s31 =	sshll.u32 s31, $0x4;
	(pc) =	sbr.rel @!p0 .LBB2_2-.Ltmp0, $4  }
0x5f: {  	[sflag:s5] =	ssyncadd.s32 $0xFFFF0000;
	s31 =	sadd.s32 s0, s31  }
0x60: {  	[hbm4b:s31+s3] =	stream.linear.scatter [tilespmem:s9], [sflag:$0x1], $0x10000, $0x38;
	[tilespmem:$0x1C400] =	vst v63  }
0x61: {  	_ =	swait.ge [sflag:s5], $0x10000  }
0x62: {  	s0 =	sadd.s32 $0xFFFFFFFF, s1;
	[sflag:s5] =	ssyncset.done $0x0  }
.LBB2_1:
0x63: {  	[sflag:s5] =	ssyncadd.s32 $0xFFFF0000  }
0x64: {  	[tilespmem:s6], [sflag:$0x1] =	stream.linear.gather [hbm4b:s4+s3], $0x200, $0x38;
	[tilespmem:$0x1C400] =	vst v63  }
0x65: {  	_ =	swait.ge [sflag:s5], $0x200  }
0x66: {  	[sflag:s5] =	ssyncset.done $0x0  }
0x67: {  	[sflag:s5] =	ssyncadd.s32 $0xFFFFFE00  }
0x68: {  	[tilespmem:s8], [sflag:$0x1] =	stream.linear.gather [hbm4b:s7+s3], $0x200, $0x38;
	[tilespmem:$0x1C400] =	vst v63  }
0x69: {  	_ =	swait.ge [sflag:s5], $0x200  }
0x6a: {  	[sflag:s5] =	ssyncset.done $0x0  }
0x6b: {  	s1 =	rddreg [dreg:$0x4];
	[sflag:s5] =	ssyncadd.s32 $0xFFFFFE00  }
0x6c: {  	[tilespmem:s9], [sflag:$0x1] =	stream.linear.gather [hbm4b:s1+s3], $0x10000, $0x38;
	[tilespmem:$0x1C400] =	vst v63  }
0x6d: {  	_ =	swait.ge [sflag:s5], $0x10000  }
0x6e: {  	[sflag:s5] =	ssyncset.done $0x0  }
0x6f: {  	[sflag:s5] =	ssyncadd.s32 $0xFFFF0000  }
0x70: {  	[spmem:s10] =	stream.linear.scatter [tilespmem:s9], [sflag:$0x1], $0x10000, $0x38;
	[tilespmem:$0x1C400] =	vst v63  }
0x71: {  	_ =	swait.ge [sflag:s5], $0x10000  }
0x72: {  	[sflag:s5] =	ssyncset.done $0x0  }
0x73: {  	[sflag:s5] =	ssyncadd.s32 $0xFFFF0000  }
0x74: {  	[spmem:s11] =	stream.linear.scatter [tilespmem:s9], [sflag:$0x1], $0x10000, $0x38;
	[tilespmem:$0x1C400] =	vst v63  }
0x75: {  	_ =	swait.ge [sflag:s5], $0x10000  }
0x76: {  	[sflag:s5] =	ssyncset.done $0x0  }
0x77: {  	[sflag:s5] =	ssyncadd.s32 $0xFFFF0000  }
0x78: {  	[bflag:$0x0] =	sbarrier.arrive $0xFFFF  }
0x79: {  	[tilespmem:s9], [sflag:$0x1] =	stream.linear.gather [hbm4b:s12+s3], $0x10000, $0x38;
	[tilespmem:$0x1C400] =	vst v63  }
0x7a: {  	_ =	swait.ge [sflag:s5], $0x10000  }
0x7b: {  	[sflag:s5] =	ssyncset.done $0x0  }
0x7c: {  	[sflag:s5] =	ssyncadd.s32 $0xFFFF0000  }
0x7d: {  	[spmem:s2] =	stream.indirect.scatter.add.f32 [tilespmem:s9], [sflag:$0x1], $0x20, s8, s13, $0xb8;
	[tilespmem:$0x1C400] =	vst v63  }
0x7e: {  	_ =	swait.ge [sflag:s5], $0x1000  }
0x7f: {  	[sflag:s5] =	ssyncset.done $0x0  }
0x80: {  	[sflag:s5] =	ssyncadd.s32 $0xFFFFF000  }
0x81: {  	[spmem:s2] =	stream.indirect.scatter.add.f32 [tilespmem:s15], [sflag:$0x1], $0x20, s14, s13, $0xb8;
	[tilespmem:$0x1C400] =	vst v63  }
0x82: {  	_ =	swait.ge [sflag:s5], $0x1000  }
0x83: {  	[sflag:s5] =	ssyncset.done $0x0  }
0x84: {  	[sflag:s5] =	ssyncadd.s32 $0xFFFFF000  }
0x85: {  	[spmem:s2] =	stream.indirect.scatter.add.f32 [tilespmem:s17], [sflag:$0x1], $0x20, s16, s13, $0xb8;
	[tilespmem:$0x1C400] =	vst v63  }
0x86: {  	_ =	swait.ge [sflag:s5], $0x1000  }
0x87: {  	[sflag:s5] =	ssyncset.done $0x0  }
0x88: {  	[sflag:s5] =	ssyncadd.s32 $0xFFFFF000  }
0x89: {  	[spmem:s2] =	stream.indirect.scatter.add.f32 [tilespmem:s19], [sflag:$0x1], $0x20, s18, s13, $0xb8;
	[tilespmem:$0x1C400] =	vst v63  }
0x8a: {  	_ =	swait.ge [sflag:s5], $0x1000  }
0x8b: {  	[sflag:s5] =	ssyncset.done $0x0  }
0x8c: {  	[sflag:s5] =	ssyncadd.s32 $0xFFFFF000  }
0x8d: {  	[tilespmem:s21], [sflag:$0x1] =	stream.indirect.gather [hbm4b:s20+s13], $0x80, s6, s13, $0xb8;
	[tilespmem:$0x1C400] =	vst v63  }
0x8e: {  	_ =	swait.ge [sflag:s5], $0x4000  }
0x8f: {  	[sflag:s5] =	ssyncset.done $0x0  }
0x90: {  	[sflag:s5] =	ssyncadd.s32 $0xFFFFC000  }
0x91: {  	[hbm4b:s22+s3] =	stream.linear.scatter [tilespmem:s21], [sflag:$0x1], $0x4000, $0x38;
	[tilespmem:$0x1C400] =	vst v63  }
0x92: {  	_ =	swait.ge [sflag:s5], $0x4000  }
0x93: {  	[sflag:s5] =	ssyncset.done $0x0  }
0x94: {  	[sflag:s5] =	ssyncadd.s32 $0xFFFFC000  }
0x95: {  	[tilespmem:s21], [sflag:$0x1] =	stream.indirect.gather [hbm4b:s20+s13], $0x80, s23, s13, $0xb8;
	[tilespmem:$0x1C400] =	vst v63  }
0x96: {  	_ =	swait.ge [sflag:s5], $0x4000  }
0x97: {  	[sflag:s5] =	ssyncset.done $0x0  }
0x98: {  	[sflag:s5] =	ssyncadd.s32 $0xFFFFC000  }
0x99: {  	[hbm4b:s24+s3] =	stream.linear.scatter [tilespmem:s21], [sflag:$0x1], $0x4000, $0x38;
	[tilespmem:$0x1C400] =	vst v63  }
0x9a: {  	_ =	swait.ge [sflag:s5], $0x4000  }
0x9b: {  	[sflag:s5] =	ssyncset.done $0x0  }
0x9c: {  	[sflag:s5] =	ssyncadd.s32 $0xFFFFC000  }
0x9d: {  	[tilespmem:s21], [sflag:$0x1] =	stream.indirect.gather [hbm4b:s20+s13], $0x80, s25, s13, $0xb8;
	[tilespmem:$0x1C400] =	vst v63  }
0x9e: {  	_ =	swait.ge [sflag:s5], $0x4000  }
0x9f: {  	[sflag:s5] =	ssyncset.done $0x0  }
0xa0: {  	[sflag:s5] =	ssyncadd.s32 $0xFFFFC000  }
0xa1: {  	[hbm4b:s26+s3] =	stream.linear.scatter [tilespmem:s21], [sflag:$0x1], $0x4000, $0x38;
	[tilespmem:$0x1C400] =	vst v63  }
0xa2: {  	_ =	swait.ge [sflag:s5], $0x4000  }
0xa3: {  	[sflag:s5] =	ssyncset.done $0x0  }
0xa4: {  	[sflag:s5] =	ssyncadd.s32 $0xFFFFC000  }
0xa5: {  	[tilespmem:s21], [sflag:$0x1] =	stream.indirect.gather [hbm4b:s20+s13], $0x80, s28, s13, $0xb8;
	[tilespmem:$0x1C400] =	vst v63  }
0xa6: {  	_ =	swait.ge [sflag:s5], $0x4000  }
0xa7: {  	[sflag:s5] =	ssyncset.done $0x0  }
0xa8: {  	[sflag:s5] =	ssyncadd.s32 $0xFFFFC000  }
0xa9: {  	[hbm4b:s29+s3] =	stream.linear.scatter [tilespmem:s21], [sflag:$0x1], $0x4000, $0x38;
	[tilespmem:$0x1C400] =	vst v63  }
0xaa: {  	_ =	swait.ge [sflag:s5], $0x4000  }
0xab: {  	[sflag:s5] =	ssyncset.done $0x0  }
0xac: {  	[sflag:s5] =	ssyncadd.s32 $0xFFFFC000  }
0xad: {  	[bflag:$0x0] =	sbarrier.arrive $0xFFFF  }
0xae: {  	[tilespmem:s9], [sflag:$0x1] =	stream.linear.gather [spmem:s10], $0x10000, $0x38;
	[tilespmem:$0x1C400] =	vst v63  }
0xaf: {  	_ =	swait.ge [sflag:s5], $0x10000  }
0xb0: {  	[sflag:s5] =	ssyncset.done $0x0  }
0xb1: {  	[sflag:s5] =	ssyncadd.s32 $0xFFFF0000  }
0xb2: {  	[hbm4b:s30+s3] =	stream.linear.scatter [tilespmem:s9], [sflag:$0x1], $0x10000, $0x38;
	[tilespmem:$0x1C400] =	vst v63  }
0xb3: {  	_ =	swait.ge [sflag:s5], $0x10000  }
0xb4: {  	[sflag:s5] =	ssyncset.done $0x0  }
0xb5: {  	[sflag:s5] =	ssyncadd.s32 $0xFFFF0000  }
0xb6: {  	[tilespmem:s9], [sflag:$0x1] =	stream.linear.gather [spmem:s11], $0x10000, $0x38;
	[tilespmem:$0x1C400] =	vst v63  }
0xb7: {  	p0 =	sne.s32 s0, $0x1;
	_ =	swait.ge [sflag:s5], $0x10000  }
.Ltmp1:
0xb8: {  	[sflag:s5] =	ssyncset.done $0x0;
	(pc) =	sbr.rel @p0 .LBB2_1-.Ltmp1, $4  }
0xb9: {  	[sflag:s5] =	ssyncadd.s32 $0xFFFF0000  }
0xba: {  	[hbm4b:s31+s3] =	stream.linear.scatter [tilespmem:s9], [sflag:$0x1], $0x10000, $0x38;
	[tilespmem:$0x1C400] =	vst v63  }
0xbb: {  	_ =	swait.ge [sflag:s5], $0x10000  }
0xbc: {  	s0 =	sadd.s32 $0xFFFFFFFF, s0;
	[sflag:s5] =	ssyncset.done $0x0  }
.LBB2_2:
0xbd: {  	[sflag:s5] =	ssyncadd.s32 $0xFFFF0000  }
0xbe: {  	_ =	sfence.sel $0x180000  }
0xbf: {  	[bflag:$0x0] =	sbarrier.arrive $0xFFFF  }
0xc0: {  	_ =	strace $0x9000004A  }
0xc1: {  	s0 =	stileid.u32;
	[bflag:$0x2] =	sbarrier.arrive $0xFFFF  }
0xc2: {  	p0 =	sne.s32 s0, $0x0;
	s0 =	rddreg [dreg:$0x3]  }
0xc3: {  	s0 =	sadd.s32 @!p0 $0x100000, s0  }
0xc4: {  	[sflag:s0] =	ssyncadd.tile.s32 @!p0 $0x1;
	_ =	shalt  }
.Lfunc_end2:
_tile_overlayer_lowered:
.L_overlay_start_2:
0xc5: {  	(tag) =	ssettag $0x2  }
0xc6: {  	s0 =	rddreg [dreg:$0x0];
	s2 =	stileid.u32  }
0xc7: {  	s1 =	rddreg [dreg:$0x1];
	p0 =	sne.s32 s2, $0x0  }
0xc8: {  	s3 =	rddreg [dreg:$0x2];
	[bflag:$0x3] =	sbarrier.arrive $0xFFFF;
	s2 =	simm.s32 @!p0 $0x1C01  }
0xc9: {  	[timem:s3], [sflag:s2] =	dma.local @!p0 [hbm:s0], s1  }
0xca: {  	s0 =	simm.s32 @!p0 $0x1  }
0xcb: {  	_ =	swait.ge @!p0 [sflag:s0], s1  }
0xcc: {  	s1 =	ssub.s32 @!p0 $0x0, s1;
	[sflag:s0] =	ssyncset.done @!p0 $0x0  }
0xcd: {  	[sflag:s0] =	ssyncadd.s32 @!p0 s1  }
0xce: {  	[bflag:$0x3] =	sbarrier.arrive $0xFFFF  }
0xcf: {  	_ =	shalt  }

</sc_bundles>
